<compile_context>
chip_gen: v7x
topology: tpu7x:2x2x1
jax: 0.10.2.dev20260603
libtpu: 0.0.44.dev20260713+nightly
codegen_flags: <defaults>
</compile_context>

<pallas_src>
import functools

import jax
import jax.numpy as jnp
from jax import lax
from jax.experimental import pallas as pl
from jax.experimental.pallas import tpu as pltpu
from jax.experimental.pallas import tpu_sc as plsc

NUM_CORES = 2
NUM_SUBCORES = 16
NW = NUM_CORES * NUM_SUBCORES
CH = 32
SUB = 8


def _window(emb, mem, q, r, bp):
    b = emb.shape[0]
    m = mem.shape[0]
    w = jnp.zeros((bp,) + emb.shape[1:], emb.dtype)
    w = lax.dynamic_update_slice(w, emb, (r,) + (0,) * (emb.ndim - 1))
    i8 = jnp.arange(SUB).reshape((SUB,) + (1,) * (emb.ndim - 1))
    head = lax.dynamic_slice_in_dim(mem, q, SUB, axis=0)
    w = w.at[0:SUB].set(jnp.where(i8 < r, head, w[0:SUB]))
    tail = mem[(q + b + jnp.arange(SUB)) % m]
    w = w.at[b:bp].set(jnp.where(i8 >= r, tail, w[b:bp]))
    return w


def kernel(mem_img, mem_gps, mem_coords, img_emb, gps_emb, gps_coords, ptr):
    M, D = mem_img.shape
    B = img_emb.shape[0]
    C = mem_coords.shape[1]
    W = 2 * D + C
    CP = 128
    BP = B + SUB
    rows_per_w = M // NW
    n_chunks = rows_per_w // CH
    n_pairs = n_chunks // 2

    p = jnp.asarray(ptr, jnp.int32) % jnp.int32(M)
    q = p & jnp.int32(-SUB)
    r = p & jnp.int32(SUB - 1)
    q_vec = jnp.full((16,), q, dtype=jnp.int32)

    ie2 = _window(img_emb, mem_img, q, r, BP)
    ge2 = _window(gps_emb, mem_gps, q, r, BP)
    gc2 = jnp.pad(_window(gps_coords, mem_coords, q, r, BP),
                  ((0, 0), (0, CP - C)))

    mesh = plsc.VectorSubcoreMesh(core_axis_name="c", subcore_axis_name="s")

    @functools.partial(
        pl.kernel,
        out_type=(jax.ShapeDtypeStruct((M, W), jnp.float32),
                  jax.ShapeDtypeStruct((M, CP), jnp.float32)),
        mesh=mesh,
        scratch_types=[
            pltpu.VMEM((CH, D), jnp.float32),
            pltpu.VMEM((CH, D), jnp.float32),
            pltpu.VMEM((CH, CP), jnp.float32),
            pltpu.VMEM((CH, D), jnp.float32),
            pltpu.VMEM((CH, D), jnp.float32),
            pltpu.VMEM((CH, CP), jnp.float32),
            pltpu.VMEM((16,), jnp.int32),
            pltpu.SemaphoreType.DMA,
            pltpu.SemaphoreType.DMA,
            pltpu.SemaphoreType.DMA,
            pltpu.SemaphoreType.DMA,
        ],
    )
    def run(mi, mg, ie, ge, gc, qv, out, ocrd,
            img0, gps0, crd0, img1, gps1, crd1, qbuf, r0, r1, w0, w1):
        wid = lax.axis_index("s") * NUM_CORES + lax.axis_index("c")
        base = pl.multiple_of(wid * rows_per_w, rows_per_w)
        pltpu.sync_copy(qv, qbuf)
        qk = qbuf[...][0]

        def read(c0, bi, bg, bc, sem):
            d = c0 - qk
            s = jnp.where(d < 0, d + M, d)
            full_in = s <= BP - CH

            @pl.when(full_in)
            def _():
                sa = pl.multiple_of(s, SUB)
                pltpu.async_copy(ie.at[pl.ds(sa, CH)], bi, sem)
                pltpu.async_copy(ge.at[pl.ds(sa, CH)], bg, sem)
                pltpu.async_copy(gc.at[pl.ds(sa, CH)], bc, sem)

            @pl.when(jnp.logical_not(full_in))
            def _():
                pltpu.async_copy(mi.at[pl.ds(c0, CH)], bi, sem)
                pltpu.async_copy(mg.at[pl.ds(c0, CH)], bg, sem)

        def wait_read(c0, bi, bg, bc, sem):
            d = c0 - qk
            s = jnp.where(d < 0, d + M, d)
            pltpu.make_async_copy(mi.at[pl.ds(0, CH)], bi, sem).wait()
            pltpu.make_async_copy(mg.at[pl.ds(0, CH)], bg, sem).wait()

            @pl.when(s <= BP - CH)
            def _():
                pltpu.make_async_copy(gc.at[pl.ds(0, CH)], bc, sem).wait()

        def overlay(c0, bi, bg, bc):
            d = c0 - qk
            s = jnp.where(d < 0, d + M, d)
            full_in = s <= BP - CH
            for k in range(CH // SUB):
                e = s + k * SUB
                e = jnp.where(e >= M, e - M, e)

                @pl.when(jnp.logical_and(jnp.logical_not(full_in), e < BP))
                def _ov(e=e, k=k):
                    ea = pl.multiple_of(e, SUB)
                    pltpu.sync_copy(ie.at[pl.ds(ea, SUB)],
                                    bi.at[pl.ds(k * SUB, SUB)])
                    pltpu.sync_copy(ge.at[pl.ds(ea, SUB)],
                                    bg.at[pl.ds(k * SUB, SUB)])
                    pltpu.sync_copy(gc.at[pl.ds(ea, SUB)],
                                    bc.at[pl.ds(k * SUB, SUB)])

        def write(c0, bi, bg, bc, sem):
            pltpu.async_copy(bi, out.at[pl.ds(c0, CH), pl.ds(0, D)], sem)
            pltpu.async_copy(bg, out.at[pl.ds(c0, CH), pl.ds(D, D)], sem)
            pltpu.async_copy(bc, ocrd.at[pl.ds(c0, CH)], sem)

        def wait_write(bi, bg, bc, sem):
            pltpu.make_async_copy(bi, out.at[pl.ds(0, CH), pl.ds(0, D)],
                                  sem).wait()
            pltpu.make_async_copy(bg, out.at[pl.ds(0, CH), pl.ds(D, D)],
                                  sem).wait()
            pltpu.make_async_copy(bc, ocrd.at[pl.ds(0, CH)], sem).wait()

        read(base, img0, gps0, crd0, r0)

        def pair_body(t2, carry):
            a = pl.multiple_of(base + (2 * t2) * CH, CH)
            b = pl.multiple_of(base + (2 * t2 + 1) * CH, CH)

            @pl.when(t2 > 0)
            def _():
                wait_write(img1, gps1, crd1, w1)

            read(b, img1, gps1, crd1, r1)
            wait_read(a, img0, gps0, crd0, r0)
            overlay(a, img0, gps0, crd0)
            write(a, img0, gps0, crd0, w0)
            wait_read(b, img1, gps1, crd1, r1)
            overlay(b, img1, gps1, crd1)
            write(b, img1, gps1, crd1, w1)

            @pl.when(t2 < n_pairs - 1)
            def _():
                wait_write(img0, gps0, crd0, w0)
                read(pl.multiple_of(base + (2 * t2 + 2) * CH, CH),
                     img0, gps0, crd0, r0)

            return carry

        lax.fori_loop(0, n_pairs, pair_body, 0)
        wait_write(img0, gps0, crd0, w0)
        wait_write(img1, gps1, crd1, w1)

    out_sc, out_crd = run(mem_img, mem_gps, ie2, ge2, gc2, q_vec)

    BRT = 512

    def tc_body(q_ref, _, crd_ref, mcr_ref, o_ref):
        i = pl.program_id(0)
        rows = lax.broadcasted_iota(jnp.int32, (BRT, 1), 0) + i * BRT
        t = rows - q_ref[0]
        t = jnp.where(t < 0, t + M, t)
        sel = t < BP
        o_ref[:, 0:C] = jnp.where(sel, crd_ref[:, 0:C], mcr_ref[...])

    return pl.pallas_call(
        tc_body,
        grid_spec=pltpu.PrefetchScalarGridSpec(
            num_scalar_prefetch=1,
            grid=(M // BRT,),
            in_specs=[
                pl.BlockSpec(memory_space=pl.ANY),
                pl.BlockSpec((BRT, CP), lambda i, qr: (i, 0)),
                pl.BlockSpec((BRT, C), lambda i, qr: (i, 0)),
            ],
            out_specs=pl.BlockSpec((BRT, CP), lambda i, qr: (i, 2 * D // CP)),
        ),
        out_shape=jax.ShapeDtypeStruct((M, W), jnp.float32),
        input_output_aliases={1: 0},
    )(q[None], out_sc, out_crd, mem_coords)

# --- scband reference (transcript-rebuilt; emitter-appended) ---
"""Pipeline reference for scband-geo-clipsupport-set-8022998909028 (READ-ONLY COPY).

The authoritative reference and input builder live on the scoring server;
editing this copy changes nothing except your own understanding.
"""

import jax, jax.numpy as jnp
import numpy as np

M = 65536
B = 4096
D = 512

def setup_inputs(seed: int = 0) -> dict:
    key = jax.random.key(seed)
    ks = jax.random.split(key, 6)
    return {
        "mem_img": jax.random.normal(ks[0], (M, D), dtype=jnp.float32),
        "mem_gps": jax.random.normal(ks[1], (M, D), dtype=jnp.float32),
        "mem_coords": jax.random.normal(ks[2], (M, 2), dtype=jnp.float32),
        "img_emb": jax.random.normal(ks[3], (B, D), dtype=jnp.float32),
        "gps_emb": jax.random.normal(ks[4], (B, D), dtype=jnp.float32),
        "gps_coords": jax.random.normal(ks[5], (B, 2), dtype=jnp.float32),
        "ptr": 63488,
    }

def reference(mem_img, mem_gps, mem_coords, img_emb, gps_emb, gps_coords, ptr):
    # Faithful JAX translation of GeoCLIPSupportSet.update_support_set_features:
    # a ring-buffer scatter-overwrite of the oldest support-set entries.
    # The torch code's two-branch slice logic (wraparound vs. contiguous)
    # is expressed equivalently as modular row indices + scatter .at[idx].set.
    n = img_emb.shape[0]
    m = mem_img.shape[0]
    idx = (ptr + jnp.arange(n)) % m  # rolling pointer positions, handles wraparound
    new_img = mem_img.at[idx].set(img_emb)
    new_gps = mem_gps.at[idx].set(gps_emb)
    new_coords = mem_coords.at[idx].set(gps_coords)
    # Return the updated support-set memory (concatenated along feature dim
    # so the output is a single array: [M, 512 + 512 + 2]).
    return jnp.concatenate([new_img, new_gps, new_coords], axis=1)

if __name__ == "__main__":
    import jax
    _d = setup_inputs()
    print(jax.jit(kernel)(*tuple(_d.values())))

</pallas_src>

<mosaic_0001>
#map = affine_map<(d0, d1) -> (0, 0)>
#map1 = affine_map<(d0, d1) -> (0)>
module attributes {stable_mosaic.version = 14 : i64} {
  func.func @run(%arg0: i32, %arg1: i32, %arg2: memref<65536x512xf32, #tpu.memory_space<hbm>>, %arg3: memref<65536x512xf32, #tpu.memory_space<hbm>>, %arg4: memref<4104x512xf32, #tpu.memory_space<hbm>>, %arg5: memref<4104x512xf32, #tpu.memory_space<hbm>>, %arg6: memref<4104x128xf32, #tpu.memory_space<hbm>>, %arg7: memref<16xi32, #tpu.memory_space<hbm>>, %arg8: memref<65536x1026xf32, #tpu.memory_space<hbm>>, %arg9: memref<65536x128xf32, #tpu.memory_space<hbm>>, %arg10: memref<32x512xf32, #tpu.memory_space<vmem>>, %arg11: memref<32x512xf32, #tpu.memory_space<vmem>>, %arg12: memref<32x128xf32, #tpu.memory_space<vmem>>, %arg13: memref<32x512xf32, #tpu.memory_space<vmem>>, %arg14: memref<32x512xf32, #tpu.memory_space<vmem>>, %arg15: memref<32x128xf32, #tpu.memory_space<vmem>>, %arg16: memref<16xi32, #tpu.memory_space<vmem>>, %arg17: memref<!tpu.dma_semaphore, #tpu.memory_space<semaphore_mem>>, %arg18: memref<!tpu.dma_semaphore, #tpu.memory_space<semaphore_mem>>, %arg19: memref<!tpu.dma_semaphore, #tpu.memory_space<semaphore_mem>>, %arg20: memref<!tpu.dma_semaphore, #tpu.memory_space<semaphore_mem>>) attributes {dimension_semantics = [#tpu.dimension_semantics<core_parallel>, #tpu.dimension_semantics<subcore_parallel>], iteration_bounds = array<i64: 2, 16>, scalar_prefetch = 0 : i64, scratch_operands = 11 : i64, tpu.core_type = #tpu.core_type<sc_vector_subcore>, window_params = [{transform_indices = #map}, {transform_indices = #map}, {transform_indices = #map}, {transform_indices = #map}, {transform_indices = #map}, {transform_indices = #map1}, {transform_indices = #map}, {transform_indices = #map}]} {
    %mul3A = arith.constant 2 : i32
    %mul3A_0 = arith.muli %arg1, %mul3A : i32
    %add3A = arith.addi %mul3A_0, %arg0 : i32
    %mul3A_1 = arith.constant 2048 : i32
    %mul3A_2 = arith.muli %add3A, %mul3A_1 : i32
    %multiple_of3A = tpu.assume_multiple %mul3A_2, 2048 : i32
    "tpu.region"() ({
      %run_scoped3A = tpu.sem_alloc : memref<!tpu.dma_semaphore, #tpu.memory_space<semaphore_mem>>
      tpu.enqueue_dma source(%arg7 : memref<16xi32, #tpu.memory_space<hbm>>) target(%arg16 : memref<16xi32, #tpu.memory_space<vmem>>) target_semaphore(%run_scoped3A : memref<!tpu.dma_semaphore, #tpu.memory_space<semaphore_mem>>)
      tpu.wait_dma2 semaphore(%run_scoped3A : memref<!tpu.dma_semaphore, #tpu.memory_space<semaphore_mem>>) src(%arg7 : memref<16xi32, #tpu.memory_space<hbm>>) dst(%arg16 : memref<16xi32, #tpu.memory_space<vmem>>)
      tpu.yield
    }) : () -> ()
    %get3A = arith.constant 0 : index
    %get3A_3 = tpu.vector_load %arg16[%get3A] {strides = array<i32>} : memref<16xi32, #tpu.memory_space<vmem>>, vector<16xi32>,
    %get3A_4 = vector.shape_cast %get3A_3 : vector<16xi32> to vector<16xi32>
    %slice3A = vector.extract_strided_slice %get3A_4 {offsets = [0], sizes = [1], strides = [1]} : vector<16xi32> to vector<1xi32>
    %squeeze3A = vector.extract %slice3A[0] : i32 from vector<1xi32>
    %sub3A = arith.subi %multiple_of3A, %squeeze3A : i32
    %lt3A = arith.constant 0 : i32
    %lt3A_5 = arith.cmpi slt, %sub3A, %lt3A : i32
    %add3A_6 = arith.constant 65536 : i32
    %add3A_7 = arith.addi %sub3A, %add3A_6 : i32
    %select_n3A = arith.select %lt3A_5, %add3A_7, %sub3A : i32
    %le3A = arith.constant 4072 : i32
    %le3A_8 = arith.cmpi sle, %select_n3A, %le3A : i32
    %convert_element_type3A = arith.extui %le3A_8 : i1 to i32
    %cond3A = arith.constant 0 : i32
    %cond3A_9 = arith.cmpi ne, %convert_element_type3A, %cond3A : i32
    scf.if %cond3A_9 {
      %multiple_of3A_54 = tpu.assume_multiple %select_n3A, 8 : i32
      %dma_start3A = arith.constant 0 : i32
      %dma_start3A_55 = tpu.memref_slice %arg4[%multiple_of3A_54, %dma_start3A] : memref<4104x512xf32, #tpu.memory_space<hbm>> -> memref<32x512xf32, #tpu.memory_space<hbm>>
      %dma_start3A_56 = arith.constant 0 : i32
      %dma_start3A_57 = tpu.memref_slice %arg4[%multiple_of3A_54, %dma_start3A_56] : memref<4104x512xf32, #tpu.memory_space<hbm>> -> memref<32x512xf32, #tpu.memory_space<hbm>>
      tpu.enqueue_dma source(%dma_start3A_57 : memref<32x512xf32, #tpu.memory_space<hbm>>) target(%arg10 : memref<32x512xf32, #tpu.memory_space<vmem>>) target_semaphore(%arg17 : memref<!tpu.dma_semaphore, #tpu.memory_space<semaphore_mem>>)
      %dma_start3A_58 = arith.constant 0 : i32
      %dma_start3A_59 = tpu.memref_slice %arg5[%multiple_of3A_54, %dma_start3A_58] : memref<4104x512xf32, #tpu.memory_space<hbm>> -> memref<32x512xf32, #tpu.memory_space<hbm>>
      %dma_start3A_60 = arith.constant 0 : i32
      %dma_start3A_61 = tpu.memref_slice %arg5[%multiple_of3A_54, %dma_start3A_60] : memref<4104x512xf32, #tpu.memory_space<hbm>> -> memref<32x512xf32, #tpu.memory_space<hbm>>
      tpu.enqueue_dma source(%dma_start3A_61 : memref<32x512xf32, #tpu.memory_space<hbm>>) target(%arg11 : memref<32x512xf32, #tpu.memory_space<vmem>>) target_semaphore(%arg17 : memref<!tpu.dma_semaphore, #tpu.memory_space<semaphore_mem>>)
      %dma_start3A_62 = arith.constant 0 : i32
      %dma_start3A_63 = tpu.memref_slice %arg6[%multiple_of3A_54, %dma_start3A_62] : memref<4104x128xf32, #tpu.memory_space<hbm>> -> memref<32x128xf32, #tpu.memory_space<hbm>>
      %dma_start3A_64 = arith.constant 0 : i32
      %dma_start3A_65 = tpu.memref_slice %arg6[%multiple_of3A_54, %dma_start3A_64] : memref<4104x128xf32, #tpu.memory_space<hbm>> -> memref<32x128xf32, #tpu.memory_space<hbm>>
      tpu.enqueue_dma source(%dma_start3A_65 : memref<32x128xf32, #tpu.memory_space<hbm>>) target(%arg12 : memref<32x128xf32, #tpu.memory_space<vmem>>) target_semaphore(%arg17 : memref<!tpu.dma_semaphore, #tpu.memory_space<semaphore_mem>>)
    } else {
    }
    %not3A = arith.constant true
    %not3A_10 = arith.xori %le3A_8, %not3A : i1
    %convert_element_type3A_11 = arith.extui %not3A_10 : i1 to i32
    %cond3A_12 = arith.constant 0 : i32
    %cond3A_13 = arith.cmpi ne, %convert_element_type3A_11, %cond3A_12 : i32
    scf.if %cond3A_13 {
      %dma_start3A = arith.constant 0 : i32
      %dma_start3A_54 = tpu.memref_slice %arg2[%multiple_of3A, %dma_start3A] : memref<65536x512xf32, #tpu.memory_space<hbm>> -> memref<32x512xf32, #tpu.memory_space<hbm>>
      %dma_start3A_55 = arith.constant 0 : i32
      %dma_start3A_56 = tpu.memref_slice %arg2[%multiple_of3A, %dma_start3A_55] : memref<65536x512xf32, #tpu.memory_space<hbm>> -> memref<32x512xf32, #tpu.memory_space<hbm>>
      tpu.enqueue_dma source(%dma_start3A_56 : memref<32x512xf32, #tpu.memory_space<hbm>>) target(%arg10 : memref<32x512xf32, #tpu.memory_space<vmem>>) target_semaphore(%arg17 : memref<!tpu.dma_semaphore, #tpu.memory_space<semaphore_mem>>)
      %dma_start3A_57 = arith.constant 0 : i32
      %dma_start3A_58 = tpu.memref_slice %arg3[%multiple_of3A, %dma_start3A_57] : memref<65536x512xf32, #tpu.memory_space<hbm>> -> memref<32x512xf32, #tpu.memory_space<hbm>>
      %dma_start3A_59 = arith.constant 0 : i32
      %dma_start3A_60 = tpu.memref_slice %arg3[%multiple_of3A, %dma_start3A_59] : memref<65536x512xf32, #tpu.memory_space<hbm>> -> memref<32x512xf32, #tpu.memory_space<hbm>>
      tpu.enqueue_dma source(%dma_start3A_60 : memref<32x512xf32, #tpu.memory_space<hbm>>) target(%arg11 : memref<32x512xf32, #tpu.memory_space<vmem>>) target_semaphore(%arg17 : memref<!tpu.dma_semaphore, #tpu.memory_space<semaphore_mem>>)
    } else {
    }
    %scan3A = arith.constant 0 : i32
    %scan3A_14 = arith.constant 0 : i32
    %scan3A_15 = arith.constant 32 : i32
    %scan3A_16 = arith.addi %scan3A_14, %scan3A_15 : i32
    %scan3A_17 = arith.constant 1 : i32
    scf.for %scan3A_54 = %scan3A_14 to %scan3A_16 step %scan3A_17  : i32 {
      %mul3A_55 = arith.constant 2 : i32
      %mul3A_56 = arith.muli %mul3A_55, %scan3A_54 : i32
      %mul3A_57 = arith.constant 32 : i32
      %mul3A_58 = arith.muli %mul3A_56, %mul3A_57 : i32
      %add3A_59 = arith.addi %multiple_of3A, %mul3A_58 : i32
      %multiple_of3A_60 = tpu.assume_multiple %add3A_59, 32 : i32
      %mul3A_61 = arith.constant 2 : i32
      %mul3A_62 = arith.muli %mul3A_61, %scan3A_54 : i32
      %add3A_63 = arith.constant 1 : i32
      %add3A_64 = arith.addi %mul3A_62, %add3A_63 : i32
      %mul3A_65 = arith.constant 32 : i32
      %mul3A_66 = arith.muli %add3A_64, %mul3A_65 : i32
      %add3A_67 = arith.addi %multiple_of3A, %mul3A_66 : i32
      %multiple_of3A_68 = tpu.assume_multiple %add3A_67, 32 : i32
      %gt3A = arith.constant 0 : i32
      %gt3A_69 = arith.cmpi sgt, %scan3A_54, %gt3A : i32
      %convert_element_type3A_70 = arith.extui %gt3A_69 : i1 to i32
      %cond3A_71 = arith.constant 0 : i32
      %cond3A_72 = arith.cmpi ne, %convert_element_type3A_70, %cond3A_71 : i32
      scf.if %cond3A_72 {
        %dma_wait3A_297 = arith.constant 0 : i32
        %dma_wait3A_298 = arith.constant 0 : i32
        %dma_wait3A_299 = tpu.memref_slice %arg8[%dma_wait3A_297, %dma_wait3A_298] : memref<65536x1026xf32, #tpu.memory_space<hbm>> -> memref<32x512xf32, #tpu.memory_space<hbm>>
        %dma_wait3A_300 = arith.constant 0 : i32
        %dma_wait3A_301 = arith.constant 0 : i32
        %dma_wait3A_302 = tpu.memref_slice %arg8[%dma_wait3A_300, %dma_wait3A_301] : memref<65536x1026xf32, #tpu.memory_space<hbm>> -> memref<32x512xf32, #tpu.memory_space<hbm>>
        tpu.wait_dma2 semaphore(%arg20 : memref<!tpu.dma_semaphore, #tpu.memory_space<semaphore_mem>>) src(%arg13 : memref<32x512xf32, #tpu.memory_space<vmem>>) dst(%dma_wait3A_302 : memref<32x512xf32, #tpu.memory_space<hbm>>)
        %dma_wait3A_303 = arith.constant 0 : i32
        %dma_wait3A_304 = arith.constant 512 : i32
        %dma_wait3A_305 = tpu.memref_slice %arg8[%dma_wait3A_303, %dma_wait3A_304] : memref<65536x1026xf32, #tpu.memory_space<hbm>> -> memref<32x512xf32, #tpu.memory_space<hbm>>
        %dma_wait3A_306 = arith.constant 0 : i32
        %dma_wait3A_307 = arith.constant 512 : i32
        %dma_wait3A_308 = tpu.memref_slice %arg8[%dma_wait3A_306, %dma_wait3A_307] : memref<65536x1026xf32, #tpu.memory_space<hbm>> -> memref<32x512xf32, #tpu.memory_space<hbm>>
        tpu.wait_dma2 semaphore(%arg20 : memref<!tpu.dma_semaphore, #tpu.memory_space<semaphore_mem>>) src(%arg14 : memref<32x512xf32, #tpu.memory_space<vmem>>) dst(%dma_wait3A_308 : memref<32x512xf32, #tpu.memory_space<hbm>>)
        %dma_wait3A_309 = arith.constant 0 : i32
        %dma_wait3A_310 = arith.constant 0 : i32
        %dma_wait3A_311 = tpu.memref_slice %arg9[%dma_wait3A_309, %dma_wait3A_310] : memref<65536x128xf32, #tpu.memory_space<hbm>> -> memref<32x128xf32, #tpu.memory_space<hbm>>
        %dma_wait3A_312 = arith.constant 0 : i32
        %dma_wait3A_313 = arith.constant 0 : i32
        %dma_wait3A_314 = tpu.memref_slice %arg9[%dma_wait3A_312, %dma_wait3A_313] : memref<65536x128xf32, #tpu.memory_space<hbm>> -> memref<32x128xf32, #tpu.memory_space<hbm>>
        tpu.wait_dma2 semaphore(%arg20 : memref<!tpu.dma_semaphore, #tpu.memory_space<semaphore_mem>>) src(%arg15 : memref<32x128xf32, #tpu.memory_space<vmem>>) dst(%dma_wait3A_314 : memref<32x128xf32, #tpu.memory_space<hbm>>)
      } else {
      }
      %sub3A_73 = arith.subi %multiple_of3A_68, %squeeze3A : i32
      %lt3A_74 = arith.constant 0 : i32
      %lt3A_75 = arith.cmpi slt, %sub3A_73, %lt3A_74 : i32
      %add3A_76 = arith.constant 65536 : i32
      %add3A_77 = arith.addi %sub3A_73, %add3A_76 : i32
      %select_n3A_78 = arith.select %lt3A_75, %add3A_77, %sub3A_73 : i32
      %le3A_79 = arith.constant 4072 : i32
      %le3A_80 = arith.cmpi sle, %select_n3A_78, %le3A_79 : i32
      %convert_element_type3A_81 = arith.extui %le3A_80 : i1 to i32
      %cond3A_82 = arith.constant 0 : i32
      %cond3A_83 = arith.cmpi ne, %convert_element_type3A_81, %cond3A_82 : i32
      scf.if %cond3A_83 {
        %multiple_of3A_297 = tpu.assume_multiple %select_n3A_78, 8 : i32
        %dma_start3A_298 = arith.constant 0 : i32
        %dma_start3A_299 = tpu.memref_slice %arg4[%multiple_of3A_297, %dma_start3A_298] : memref<4104x512xf32, #tpu.memory_space<hbm>> -> memref<32x512xf32, #tpu.memory_space<hbm>>
        %dma_start3A_300 = arith.constant 0 : i32
        %dma_start3A_301 = tpu.memref_slice %arg4[%multiple_of3A_297, %dma_start3A_300] : memref<4104x512xf32, #tpu.memory_space<hbm>> -> memref<32x512xf32, #tpu.memory_space<hbm>>
        tpu.enqueue_dma source(%dma_start3A_301 : memref<32x512xf32, #tpu.memory_space<hbm>>) target(%arg13 : memref<32x512xf32, #tpu.memory_space<vmem>>) target_semaphore(%arg18 : memref<!tpu.dma_semaphore, #tpu.memory_space<semaphore_mem>>)
        %dma_start3A_302 = arith.constant 0 : i32
        %dma_start3A_303 = tpu.memref_slice %arg5[%multiple_of3A_297, %dma_start3A_302] : memref<4104x512xf32, #tpu.memory_space<hbm>> -> memref<32x512xf32, #tpu.memory_space<hbm>>
        %dma_start3A_304 = arith.constant 0 : i32
        %dma_start3A_305 = tpu.memref_slice %arg5[%multiple_of3A_297, %dma_start3A_304] : memref<4104x512xf32, #tpu.memory_space<hbm>> -> memref<32x512xf32, #tpu.memory_space<hbm>>
        tpu.enqueue_dma source(%dma_start3A_305 : memref<32x512xf32, #tpu.memory_space<hbm>>) target(%arg14 : memref<32x512xf32, #tpu.memory_space<vmem>>) target_semaphore(%arg18 : memref<!tpu.dma_semaphore, #tpu.memory_space<semaphore_mem>>)
        %dma_start3A_306 = arith.constant 0 : i32
        %dma_start3A_307 = tpu.memref_slice %arg6[%multiple_of3A_297, %dma_start3A_306] : memref<4104x128xf32, #tpu.memory_space<hbm>> -> memref<32x128xf32, #tpu.memory_space<hbm>>
        %dma_start3A_308 = arith.constant 0 : i32
        %dma_start3A_309 = tpu.memref_slice %arg6[%multiple_of3A_297, %dma_start3A_308] : memref<4104x128xf32, #tpu.memory_space<hbm>> -> memref<32x128xf32, #tpu.memory_space<hbm>>
        tpu.enqueue_dma source(%dma_start3A_309 : memref<32x128xf32, #tpu.memory_space<hbm>>) target(%arg15 : memref<32x128xf32, #tpu.memory_space<vmem>>) target_semaphore(%arg18 : memref<!tpu.dma_semaphore, #tpu.memory_space<semaphore_mem>>)
      } else {
      }
      %not3A_84 = arith.constant true
      %not3A_85 = arith.xori %le3A_80, %not3A_84 : i1
      %convert_element_type3A_86 = arith.extui %not3A_85 : i1 to i32
      %cond3A_87 = arith.constant 0 : i32
      %cond3A_88 = arith.cmpi ne, %convert_element_type3A_86, %cond3A_87 : i32
      scf.if %cond3A_88 {
        %dma_start3A_297 = arith.constant 0 : i32
        %dma_start3A_298 = tpu.memref_slice %arg2[%multiple_of3A_68, %dma_start3A_297] : memref<65536x512xf32, #tpu.memory_space<hbm>> -> memref<32x512xf32, #tpu.memory_space<hbm>>
        %dma_start3A_299 = arith.constant 0 : i32
        %dma_start3A_300 = tpu.memref_slice %arg2[%multiple_of3A_68, %dma_start3A_299] : memref<65536x512xf32, #tpu.memory_space<hbm>> -> memref<32x512xf32, #tpu.memory_space<hbm>>
        tpu.enqueue_dma source(%dma_start3A_300 : memref<32x512xf32, #tpu.memory_space<hbm>>) target(%arg13 : memref<32x512xf32, #tpu.memory_space<vmem>>) target_semaphore(%arg18 : memref<!tpu.dma_semaphore, #tpu.memory_space<semaphore_mem>>)
        %dma_start3A_301 = arith.constant 0 : i32
        %dma_start3A_302 = tpu.memref_slice %arg3[%multiple_of3A_68, %dma_start3A_301] : memref<65536x512xf32, #tpu.memory_space<hbm>> -> memref<32x512xf32, #tpu.memory_space<hbm>>
        %dma_start3A_303 = arith.constant 0 : i32
        %dma_start3A_304 = tpu.memref_slice %arg3[%multiple_of3A_68, %dma_start3A_303] : memref<65536x512xf32, #tpu.memory_space<hbm>> -> memref<32x512xf32, #tpu.memory_space<hbm>>
        tpu.enqueue_dma source(%dma_start3A_304 : memref<32x512xf32, #tpu.memory_space<hbm>>) target(%arg14 : memref<32x512xf32, #tpu.memory_space<vmem>>) target_semaphore(%arg18 : memref<!tpu.dma_semaphore, #tpu.memory_space<semaphore_mem>>)
      } else {
      }
      %sub3A_89 = arith.subi %multiple_of3A_60, %squeeze3A : i32
      %lt3A_90 = arith.constant 0 : i32
      %lt3A_91 = arith.cmpi slt, %sub3A_89, %lt3A_90 : i32
      %add3A_92 = arith.constant 65536 : i32
      %add3A_93 = arith.addi %sub3A_89, %add3A_92 : i32
      %select_n3A_94 = arith.select %lt3A_91, %add3A_93, %sub3A_89 : i32
      %dma_wait3A_95 = arith.constant 0 : i32
      %dma_wait3A_96 = arith.constant 0 : i32
      %dma_wait3A_97 = tpu.memref_slice %arg2[%dma_wait3A_95, %dma_wait3A_96] : memref<65536x512xf32, #tpu.memory_space<hbm>> -> memref<32x512xf32, #tpu.memory_space<hbm>>
      %dma_wait3A_98 = arith.constant 0 : i32
      %dma_wait3A_99 = arith.constant 0 : i32
      %dma_wait3A_100 = tpu.memref_slice %arg2[%dma_wait3A_98, %dma_wait3A_99] : memref<65536x512xf32, #tpu.memory_space<hbm>> -> memref<32x512xf32, #tpu.memory_space<hbm>>
      tpu.wait_dma2 semaphore(%arg17 : memref<!tpu.dma_semaphore, #tpu.memory_space<semaphore_mem>>) src(%dma_wait3A_100 : memref<32x512xf32, #tpu.memory_space<hbm>>) dst(%arg10 : memref<32x512xf32, #tpu.memory_space<vmem>>)
      %dma_wait3A_101 = arith.constant 0 : i32
      %dma_wait3A_102 = arith.constant 0 : i32
      %dma_wait3A_103 = tpu.memref_slice %arg3[%dma_wait3A_101, %dma_wait3A_102] : memref<65536x512xf32, #tpu.memory_space<hbm>> -> memref<32x512xf32, #tpu.memory_space<hbm>>
      %dma_wait3A_104 = arith.constant 0 : i32
      %dma_wait3A_105 = arith.constant 0 : i32
      %dma_wait3A_106 = tpu.memref_slice %arg3[%dma_wait3A_104, %dma_wait3A_105] : memref<65536x512xf32, #tpu.memory_space<hbm>> -> memref<32x512xf32, #tpu.memory_space<hbm>>
      tpu.wait_dma2 semaphore(%arg17 : memref<!tpu.dma_semaphore, #tpu.memory_space<semaphore_mem>>) src(%dma_wait3A_106 : memref<32x512xf32, #tpu.memory_space<hbm>>) dst(%arg11 : memref<32x512xf32, #tpu.memory_space<vmem>>)
      %le3A_107 = arith.constant 4072 : i32
      %le3A_108 = arith.cmpi sle, %select_n3A_94, %le3A_107 : i32
      %convert_element_type3A_109 = arith.extui %le3A_108 : i1 to i32
      %cond3A_110 = arith.constant 0 : i32
      %cond3A_111 = arith.cmpi ne, %convert_element_type3A_109, %cond3A_110 : i32
      scf.if %cond3A_111 {
        %dma_wait3A_297 = arith.constant 0 : i32
        %dma_wait3A_298 = arith.constant 0 : i32
        %dma_wait3A_299 = tpu.memref_slice %arg6[%dma_wait3A_297, %dma_wait3A_298] : memref<4104x128xf32, #tpu.memory_space<hbm>> -> memref<32x128xf32, #tpu.memory_space<hbm>>
        %dma_wait3A_300 = arith.constant 0 : i32
        %dma_wait3A_301 = arith.constant 0 : i32
        %dma_wait3A_302 = tpu.memref_slice %arg6[%dma_wait3A_300, %dma_wait3A_301] : memref<4104x128xf32, #tpu.memory_space<hbm>> -> memref<32x128xf32, #tpu.memory_space<hbm>>
        tpu.wait_dma2 semaphore(%arg17 : memref<!tpu.dma_semaphore, #tpu.memory_space<semaphore_mem>>) src(%dma_wait3A_302 : memref<32x128xf32, #tpu.memory_space<hbm>>) dst(%arg12 : memref<32x128xf32, #tpu.memory_space<vmem>>)
      } else {
      }
      %sub3A_112 = arith.subi %multiple_of3A_60, %squeeze3A : i32
      %lt3A_113 = arith.constant 0 : i32
      %lt3A_114 = arith.cmpi slt, %sub3A_112, %lt3A_113 : i32
      %add3A_115 = arith.constant 65536 : i32
      %add3A_116 = arith.addi %sub3A_112, %add3A_115 : i32
      %select_n3A_117 = arith.select %lt3A_114, %add3A_116, %sub3A_112 : i32
      %le3A_118 = arith.constant 4072 : i32
      %le3A_119 = arith.cmpi sle, %select_n3A_117, %le3A_118 : i32
      %add3A_120 = arith.constant 0 : i32
      %add3A_121 = arith.addi %select_n3A_117, %add3A_120 : i32
      %ge3A = arith.constant 65536 : i32
      %ge3A_122 = arith.cmpi sge, %add3A_121, %ge3A : i32
      %sub3A_123 = arith.constant 65536 : i32
      %sub3A_124 = arith.subi %add3A_121, %sub3A_123 : i32
      %select_n3A_125 = arith.select %ge3A_122, %sub3A_124, %add3A_121 : i32
      %not3A_126 = arith.constant true
      %not3A_127 = arith.xori %le3A_119, %not3A_126 : i1
      %lt3A_128 = arith.constant 4104 : i32
      %lt3A_129 = arith.cmpi slt, %select_n3A_125, %lt3A_128 : i32
      %and3A = arith.andi %not3A_127, %lt3A_129 : i1
      %convert_element_type3A_130 = arith.extui %and3A : i1 to i32
      %cond3A_131 = arith.constant 0 : i32
      %cond3A_132 = arith.cmpi ne, %convert_element_type3A_130, %cond3A_131 : i32
      scf.if %cond3A_132 {
        %multiple_of3A_297 = tpu.assume_multiple %select_n3A_125, 8 : i32
        "tpu.region"() ({
          %run_scoped3A = tpu.sem_alloc : memref<!tpu.dma_semaphore, #tpu.memory_space<semaphore_mem>>
          %dma_start3A_298 = arith.constant 0 : i32
          %dma_start3A_299 = arith.constant 0 : i32
          %dma_start3A_300 = tpu.memref_slice %arg10[%dma_start3A_298, %dma_start3A_299] : memref<32x512xf32, #tpu.memory_space<vmem>> -> memref<8x512xf32, #tpu.memory_space<vmem>>
          %dma_start3A_301 = arith.constant 0 : i32
          %dma_start3A_302 = tpu.memref_slice %arg4[%multiple_of3A_297, %dma_start3A_301] : memref<4104x512xf32, #tpu.memory_space<hbm>> -> memref<8x512xf32, #tpu.memory_space<hbm>>
          %dma_start3A_303 = arith.constant 0 : i32
          %dma_start3A_304 = arith.constant 0 : i32
          %dma_start3A_305 = tpu.memref_slice %arg10[%dma_start3A_303, %dma_start3A_304] : memref<32x512xf32, #tpu.memory_space<vmem>> -> memref<8x512xf32, #tpu.memory_space<vmem>>
          %dma_start3A_306 = arith.constant 0 : i32
          %dma_start3A_307 = tpu.memref_slice %arg4[%multiple_of3A_297, %dma_start3A_306] : memref<4104x512xf32, #tpu.memory_space<hbm>> -> memref<8x512xf32, #tpu.memory_space<hbm>>
          tpu.enqueue_dma source(%dma_start3A_307 : memref<8x512xf32, #tpu.memory_space<hbm>>) target(%dma_start3A_305 : memref<8x512xf32, #tpu.memory_space<vmem>>) target_semaphore(%run_scoped3A : memref<!tpu.dma_semaphore, #tpu.memory_space<semaphore_mem>>)
          %dma_wait3A_308 = arith.constant 0 : i32
          %dma_wait3A_309 = arith.constant 0 : i32
          %dma_wait3A_310 = tpu.memref_slice %arg10[%dma_wait3A_308, %dma_wait3A_309] : memref<32x512xf32, #tpu.memory_space<vmem>> -> memref<8x512xf32, #tpu.memory_space<vmem>>
          %dma_wait3A_311 = arith.constant 0 : i32
          %dma_wait3A_312 = tpu.memref_slice %arg4[%multiple_of3A_297, %dma_wait3A_311] : memref<4104x512xf32, #tpu.memory_space<hbm>> -> memref<8x512xf32, #tpu.memory_space<hbm>>
          %dma_wait3A_313 = arith.constant 0 : i32
          %dma_wait3A_314 = arith.constant 0 : i32
          %dma_wait3A_315 = tpu.memref_slice %arg10[%dma_wait3A_313, %dma_wait3A_314] : memref<32x512xf32, #tpu.memory_space<vmem>> -> memref<8x512xf32, #tpu.memory_space<vmem>>
          %dma_wait3A_316 = arith.constant 0 : i32
          %dma_wait3A_317 = tpu.memref_slice %arg4[%multiple_of3A_297, %dma_wait3A_316] : memref<4104x512xf32, #tpu.memory_space<hbm>> -> memref<8x512xf32, #tpu.memory_space<hbm>>
          tpu.wait_dma2 semaphore(%run_scoped3A : memref<!tpu.dma_semaphore, #tpu.memory_space<semaphore_mem>>) src(%dma_wait3A_317 : memref<8x512xf32, #tpu.memory_space<hbm>>) dst(%dma_wait3A_315 : memref<8x512xf32, #tpu.memory_space<vmem>>)
          tpu.yield
        }) : () -> ()
        "tpu.region"() ({
          %run_scoped3A = tpu.sem_alloc : memref<!tpu.dma_semaphore, #tpu.memory_space<semaphore_mem>>
          %dma_start3A_298 = arith.constant 0 : i32
          %dma_start3A_299 = arith.constant 0 : i32
          %dma_start3A_300 = tpu.memref_slice %arg11[%dma_start3A_298, %dma_start3A_299] : memref<32x512xf32, #tpu.memory_space<vmem>> -> memref<8x512xf32, #tpu.memory_space<vmem>>
          %dma_start3A_301 = arith.constant 0 : i32
          %dma_start3A_302 = tpu.memref_slice %arg5[%multiple_of3A_297, %dma_start3A_301] : memref<4104x512xf32, #tpu.memory_space<hbm>> -> memref<8x512xf32, #tpu.memory_space<hbm>>
          %dma_start3A_303 = arith.constant 0 : i32
          %dma_start3A_304 = arith.constant 0 : i32
          %dma_start3A_305 = tpu.memref_slice %arg11[%dma_start3A_303, %dma_start3A_304] : memref<32x512xf32, #tpu.memory_space<vmem>> -> memref<8x512xf32, #tpu.memory_space<vmem>>
          %dma_start3A_306 = arith.constant 0 : i32
          %dma_start3A_307 = tpu.memref_slice %arg5[%multiple_of3A_297, %dma_start3A_306] : memref<4104x512xf32, #tpu.memory_space<hbm>> -> memref<8x512xf32, #tpu.memory_space<hbm>>
          tpu.enqueue_dma source(%dma_start3A_307 : memref<8x512xf32, #tpu.memory_space<hbm>>) target(%dma_start3A_305 : memref<8x512xf32, #tpu.memory_space<vmem>>) target_semaphore(%run_scoped3A : memref<!tpu.dma_semaphore, #tpu.memory_space<semaphore_mem>>)
          %dma_wait3A_308 = arith.constant 0 : i32
          %dma_wait3A_309 = arith.constant 0 : i32
          %dma_wait3A_310 = tpu.memref_slice %arg11[%dma_wait3A_308, %dma_wait3A_309] : memref<32x512xf32, #tpu.memory_space<vmem>> -> memref<8x512xf32, #tpu.memory_space<vmem>>
          %dma_wait3A_311 = arith.constant 0 : i32
          %dma_wait3A_312 = tpu.memref_slice %arg5[%multiple_of3A_297, %dma_wait3A_311] : memref<4104x512xf32, #tpu.memory_space<hbm>> -> memref<8x512xf32, #tpu.memory_space<hbm>>
          %dma_wait3A_313 = arith.constant 0 : i32
          %dma_wait3A_314 = arith.constant 0 : i32
          %dma_wait3A_315 = tpu.memref_slice %arg11[%dma_wait3A_313, %dma_wait3A_314] : memref<32x512xf32, #tpu.memory_space<vmem>> -> memref<8x512xf32, #tpu.memory_space<vmem>>
          %dma_wait3A_316 = arith.constant 0 : i32
          %dma_wait3A_317 = tpu.memref_slice %arg5[%multiple_of3A_297, %dma_wait3A_316] : memref<4104x512xf32, #tpu.memory_space<hbm>> -> memref<8x512xf32, #tpu.memory_space<hbm>>
          tpu.wait_dma2 semaphore(%run_scoped3A : memref<!tpu.dma_semaphore, #tpu.memory_space<semaphore_mem>>) src(%dma_wait3A_317 : memref<8x512xf32, #tpu.memory_space<hbm>>) dst(%dma_wait3A_315 : memref<8x512xf32, #tpu.memory_space<vmem>>)
          tpu.yield
        }) : () -> ()
        "tpu.region"() ({
          %run_scoped3A = tpu.sem_alloc : memref<!tpu.dma_semaphore, #tpu.memory_space<semaphore_mem>>
          %dma_start3A_298 = arith.constant 0 : i32
          %dma_start3A_299 = arith.constant 0 : i32
          %dma_start3A_300 = tpu.memref_slice %arg12[%dma_start3A_298, %dma_start3A_299] : memref<32x128xf32, #tpu.memory_space<vmem>> -> memref<8x128xf32, #tpu.memory_space<vmem>>
          %dma_start3A_301 = arith.constant 0 : i32
          %dma_start3A_302 = tpu.memref_slice %arg6[%multiple_of3A_297, %dma_start3A_301] : memref<4104x128xf32, #tpu.memory_space<hbm>> -> memref<8x128xf32, #tpu.memory_space<hbm>>
          %dma_start3A_303 = arith.constant 0 : i32
          %dma_start3A_304 = arith.constant 0 : i32
          %dma_start3A_305 = tpu.memref_slice %arg12[%dma_start3A_303, %dma_start3A_304] : memref<32x128xf32, #tpu.memory_space<vmem>> -> memref<8x128xf32, #tpu.memory_space<vmem>>
          %dma_start3A_306 = arith.constant 0 : i32
          %dma_start3A_307 = tpu.memref_slice %arg6[%multiple_of3A_297, %dma_start3A_306] : memref<4104x128xf32, #tpu.memory_space<hbm>> -> memref<8x128xf32, #tpu.memory_space<hbm>>
          tpu.enqueue_dma source(%dma_start3A_307 : memref<8x128xf32, #tpu.memory_space<hbm>>) target(%dma_start3A_305 : memref<8x128xf32, #tpu.memory_space<vmem>>) target_semaphore(%run_scoped3A : memref<!tpu.dma_semaphore, #tpu.memory_space<semaphore_mem>>)
          %dma_wait3A_308 = arith.constant 0 : i32
          %dma_wait3A_309 = arith.constant 0 : i32
          %dma_wait3A_310 = tpu.memref_slice %arg12[%dma_wait3A_308, %dma_wait3A_309] : memref<32x128xf32, #tpu.memory_space<vmem>> -> memref<8x128xf32, #tpu.memory_space<vmem>>
          %dma_wait3A_311 = arith.constant 0 : i32
          %dma_wait3A_312 = tpu.memref_slice %arg6[%multiple_of3A_297, %dma_wait3A_311] : memref<4104x128xf32, #tpu.memory_space<hbm>> -> memref<8x128xf32, #tpu.memory_space<hbm>>
          %dma_wait3A_313 = arith.constant 0 : i32
          %dma_wait3A_314 = arith.constant 0 : i32
          %dma_wait3A_315 = tpu.memref_slice %arg12[%dma_wait3A_313, %dma_wait3A_314] : memref<32x128xf32, #tpu.memory_space<vmem>> -> memref<8x128xf32, #tpu.memory_space<vmem>>
          %dma_wait3A_316 = arith.constant 0 : i32
          %dma_wait3A_317 = tpu.memref_slice %arg6[%multiple_of3A_297, %dma_wait3A_316] : memref<4104x128xf32, #tpu.memory_space<hbm>> -> memref<8x128xf32, #tpu.memory_space<hbm>>
          tpu.wait_dma2 semaphore(%run_scoped3A : memref<!tpu.dma_semaphore, #tpu.memory_space<semaphore_mem>>) src(%dma_wait3A_317 : memref<8x128xf32, #tpu.memory_space<hbm>>) dst(%dma_wait3A_315 : memref<8x128xf32, #tpu.memory_space<vmem>>)
          tpu.yield
        }) : () -> ()
      } else {
      }
      %add3A_133 = arith.constant 8 : i32
      %add3A_134 = arith.addi %select_n3A_117, %add3A_133 : i32
      %ge3A_135 = arith.constant 65536 : i32
      %ge3A_136 = arith.cmpi sge, %add3A_134, %ge3A_135 : i32
      %sub3A_137 = arith.constant 65536 : i32
      %sub3A_138 = arith.subi %add3A_134, %sub3A_137 : i32
      %select_n3A_139 = arith.select %ge3A_136, %sub3A_138, %add3A_134 : i32
      %not3A_140 = arith.constant true
      %not3A_141 = arith.xori %le3A_119, %not3A_140 : i1
      %lt3A_142 = arith.constant 4104 : i32
      %lt3A_143 = arith.cmpi slt, %select_n3A_139, %lt3A_142 : i32
      %and3A_144 = arith.andi %not3A_141, %lt3A_143 : i1
      %convert_element_type3A_145 = arith.extui %and3A_144 : i1 to i32
      %cond3A_146 = arith.constant 0 : i32
      %cond3A_147 = arith.cmpi ne, %convert_element_type3A_145, %cond3A_146 : i32
      scf.if %cond3A_147 {
        %multiple_of3A_297 = tpu.assume_multiple %select_n3A_139, 8 : i32
        "tpu.region"() ({
          %run_scoped3A = tpu.sem_alloc : memref<!tpu.dma_semaphore, #tpu.memory_space<semaphore_mem>>
          %dma_start3A_298 = arith.constant 8 : i32
          %dma_start3A_299 = arith.constant 0 : i32
          %dma_start3A_300 = tpu.memref_slice %arg10[%dma_start3A_298, %dma_start3A_299] : memref<32x512xf32, #tpu.memory_space<vmem>> -> memref<8x512xf32, #tpu.memory_space<vmem>>
          %dma_start3A_301 = arith.constant 0 : i32
          %dma_start3A_302 = tpu.memref_slice %arg4[%multiple_of3A_297, %dma_start3A_301] : memref<4104x512xf32, #tpu.memory_space<hbm>> -> memref<8x512xf32, #tpu.memory_space<hbm>>
          %dma_start3A_303 = arith.constant 8 : i32
          %dma_start3A_304 = arith.constant 0 : i32
          %dma_start3A_305 = tpu.memref_slice %arg10[%dma_start3A_303, %dma_start3A_304] : memref<32x512xf32, #tpu.memory_space<vmem>> -> memref<8x512xf32, #tpu.memory_space<vmem>>
          %dma_start3A_306 = arith.constant 0 : i32
          %dma_start3A_307 = tpu.memref_slice %arg4[%multiple_of3A_297, %dma_start3A_306] : memref<4104x512xf32, #tpu.memory_space<hbm>> -> memref<8x512xf32, #tpu.memory_space<hbm>>
          tpu.enqueue_dma source(%dma_start3A_307 : memref<8x512xf32, #tpu.memory_space<hbm>>) target(%dma_start3A_305 : memref<8x512xf32, #tpu.memory_space<vmem>>) target_semaphore(%run_scoped3A : memref<!tpu.dma_semaphore, #tpu.memory_space<semaphore_mem>>)
          %dma_wait3A_308 = arith.constant 8 : i32
          %dma_wait3A_309 = arith.constant 0 : i32
          %dma_wait3A_310 = tpu.memref_slice %arg10[%dma_wait3A_308, %dma_wait3A_309] : memref<32x512xf32, #tpu.memory_space<vmem>> -> memref<8x512xf32, #tpu.memory_space<vmem>>
          %dma_wait3A_311 = arith.constant 0 : i32
          %dma_wait3A_312 = tpu.memref_slice %arg4[%multiple_of3A_297, %dma_wait3A_311] : memref<4104x512xf32, #tpu.memory_space<hbm>> -> memref<8x512xf32, #tpu.memory_space<hbm>>
          %dma_wait3A_313 = arith.constant 8 : i32
          %dma_wait3A_314 = arith.constant 0 : i32
          %dma_wait3A_315 = tpu.memref_slice %arg10[%dma_wait3A_313, %dma_wait3A_314] : memref<32x512xf32, #tpu.memory_space<vmem>> -> memref<8x512xf32, #tpu.memory_space<vmem>>
          %dma_wait3A_316 = arith.constant 0 : i32
          %dma_wait3A_317 = tpu.memref_slice %arg4[%multiple_of3A_297, %dma_wait3A_316] : memref<4104x512xf32, #tpu.memory_space<hbm>> -> memref<8x512xf32, #tpu.memory_space<hbm>>
          tpu.wait_dma2 semaphore(%run_scoped3A : memref<!tpu.dma_semaphore, #tpu.memory_space<semaphore_mem>>) src(%dma_wait3A_317 : memref<8x512xf32, #tpu.memory_space<hbm>>) dst(%dma_wait3A_315 : memref<8x512xf32, #tpu.memory_space<vmem>>)
          tpu.yield
        }) : () -> ()
        "tpu.region"() ({
          %run_scoped3A = tpu.sem_alloc : memref<!tpu.dma_semaphore, #tpu.memory_space<semaphore_mem>>
          %dma_start3A_298 = arith.constant 8 : i32
          %dma_start3A_299 = arith.constant 0 : i32
          %dma_start3A_300 = tpu.memref_slice %arg11[%dma_start3A_298, %dma_start3A_299] : memref<32x512xf32, #tpu.memory_space<vmem>> -> memref<8x512xf32, #tpu.memory_space<vmem>>
          %dma_start3A_301 = arith.constant 0 : i32
          %dma_start3A_302 = tpu.memref_slice %arg5[%multiple_of3A_297, %dma_start3A_301] : memref<4104x512xf32, #tpu.memory_space<hbm>> -> memref<8x512xf32, #tpu.memory_space<hbm>>
          %dma_start3A_303 = arith.constant 8 : i32
          %dma_start3A_304 = arith.constant 0 : i32
          %dma_start3A_305 = tpu.memref_slice %arg11[%dma_start3A_303, %dma_start3A_304] : memref<32x512xf32, #tpu.memory_space<vmem>> -> memref<8x512xf32, #tpu.memory_space<vmem>>
          %dma_start3A_306 = arith.constant 0 : i32
          %dma_start3A_307 = tpu.memref_slice %arg5[%multiple_of3A_297, %dma_start3A_306] : memref<4104x512xf32, #tpu.memory_space<hbm>> -> memref<8x512xf32, #tpu.memory_space<hbm>>
          tpu.enqueue_dma source(%dma_start3A_307 : memref<8x512xf32, #tpu.memory_space<hbm>>) target(%dma_start3A_305 : memref<8x512xf32, #tpu.memory_space<vmem>>) target_semaphore(%run_scoped3A : memref<!tpu.dma_semaphore, #tpu.memory_space<semaphore_mem>>)
          %dma_wait3A_308 = arith.constant 8 : i32
          %dma_wait3A_309 = arith.constant 0 : i32
          %dma_wait3A_310 = tpu.memref_slice %arg11[%dma_wait3A_308, %dma_wait3A_309] : memref<32x512xf32, #tpu.memory_space<vmem>> -> memref<8x512xf32, #tpu.memory_space<vmem>>
          %dma_wait3A_311 = arith.constant 0 : i32
          %dma_wait3A_312 = tpu.memref_slice %arg5[%multiple_of3A_297, %dma_wait3A_311] : memref<4104x512xf32, #tpu.memory_space<hbm>> -> memref<8x512xf32, #tpu.memory_space<hbm>>
          %dma_wait3A_313 = arith.constant 8 : i32
          %dma_wait3A_314 = arith.constant 0 : i32
          %dma_wait3A_315 = tpu.memref_slice %arg11[%dma_wait3A_313, %dma_wait3A_314] : memref<32x512xf32, #tpu.memory_space<vmem>> -> memref<8x512xf32, #tpu.memory_space<vmem>>
          %dma_wait3A_316 = arith.constant 0 : i32
          %dma_wait3A_317 = tpu.memref_slice %arg5[%multiple_of3A_297, %dma_wait3A_316] : memref<4104x512xf32, #tpu.memory_space<hbm>> -> memref<8x512xf32, #tpu.memory_space<hbm>>
          tpu.wait_dma2 semaphore(%run_scoped3A : memref<!tpu.dma_semaphore, #tpu.memory_space<semaphore_mem>>) src(%dma_wait3A_317 : memref<8x512xf32, #tpu.memory_space<hbm>>) dst(%dma_wait3A_315 : memref<8x512xf32, #tpu.memory_space<vmem>>)
          tpu.yield
        }) : () -> ()
        "tpu.region"() ({
          %run_scoped3A = tpu.sem_alloc : memref<!tpu.dma_semaphore, #tpu.memory_space<semaphore_mem>>
          %dma_start3A_298 = arith.constant 8 : i32
          %dma_start3A_299 = arith.constant 0 : i32
          %dma_start3A_300 = tpu.memref_slice %arg12[%dma_start3A_298, %dma_start3A_299] : memref<32x128xf32, #tpu.memory_space<vmem>> -> memref<8x128xf32, #tpu.memory_space<vmem>>
          %dma_start3A_301 = arith.constant 0 : i32
          %dma_start3A_302 = tpu.memref_slice %arg6[%multiple_of3A_297, %dma_start3A_301] : memref<4104x128xf32, #tpu.memory_space<hbm>> -> memref<8x128xf32, #tpu.memory_space<hbm>>
          %dma_start3A_303 = arith.constant 8 : i32
          %dma_start3A_304 = arith.constant 0 : i32
          %dma_start3A_305 = tpu.memref_slice %arg12[%dma_start3A_303, %dma_start3A_304] : memref<32x128xf32, #tpu.memory_space<vmem>> -> memref<8x128xf32, #tpu.memory_space<vmem>>
          %dma_start3A_306 = arith.constant 0 : i32
          %dma_start3A_307 = tpu.memref_slice %arg6[%multiple_of3A_297, %dma_start3A_306] : memref<4104x128xf32, #tpu.memory_space<hbm>> -> memref<8x128xf32, #tpu.memory_space<hbm>>
          tpu.enqueue_dma source(%dma_start3A_307 : memref<8x128xf32, #tpu.memory_space<hbm>>) target(%dma_start3A_305 : memref<8x128xf32, #tpu.memory_space<vmem>>) target_semaphore(%run_scoped3A : memref<!tpu.dma_semaphore, #tpu.memory_space<semaphore_mem>>)
          %dma_wait3A_308 = arith.constant 8 : i32
          %dma_wait3A_309 = arith.constant 0 : i32
          %dma_wait3A_310 = tpu.memref_slice %arg12[%dma_wait3A_308, %dma_wait3A_309] : memref<32x128xf32, #tpu.memory_space<vmem>> -> memref<8x128xf32, #tpu.memory_space<vmem>>
          %dma_wait3A_311 = arith.constant 0 : i32
          %dma_wait3A_312 = tpu.memref_slice %arg6[%multiple_of3A_297, %dma_wait3A_311] : memref<4104x128xf32, #tpu.memory_space<hbm>> -> memref<8x128xf32, #tpu.memory_space<hbm>>
          %dma_wait3A_313 = arith.constant 8 : i32
          %dma_wait3A_314 = arith.constant 0 : i32
          %dma_wait3A_315 = tpu.memref_slice %arg12[%dma_wait3A_313, %dma_wait3A_314] : memref<32x128xf32, #tpu.memory_space<vmem>> -> memref<8x128xf32, #tpu.memory_space<vmem>>
          %dma_wait3A_316 = arith.constant 0 : i32
          %dma_wait3A_317 = tpu.memref_slice %arg6[%multiple_of3A_297, %dma_wait3A_316] : memref<4104x128xf32, #tpu.memory_space<hbm>> -> memref<8x128xf32, #tpu.memory_space<hbm>>
          tpu.wait_dma2 semaphore(%run_scoped3A : memref<!tpu.dma_semaphore, #tpu.memory_space<semaphore_mem>>) src(%dma_wait3A_317 : memref<8x128xf32, #tpu.memory_space<hbm>>) dst(%dma_wait3A_315 : memref<8x128xf32, #tpu.memory_space<vmem>>)
          tpu.yield
        }) : () -> ()
      } else {
      }
      %add3A_148 = arith.constant 16 : i32
      %add3A_149 = arith.addi %select_n3A_117, %add3A_148 : i32
      %ge3A_150 = arith.constant 65536 : i32
      %ge3A_151 = arith.cmpi sge, %add3A_149, %ge3A_150 : i32
      %sub3A_152 = arith.constant 65536 : i32
      %sub3A_153 = arith.subi %add3A_149, %sub3A_152 : i32
      %select_n3A_154 = arith.select %ge3A_151, %sub3A_153, %add3A_149 : i32
      %not3A_155 = arith.constant true
      %not3A_156 = arith.xori %le3A_119, %not3A_155 : i1
      %lt3A_157 = arith.constant 4104 : i32
      %lt3A_158 = arith.cmpi slt, %select_n3A_154, %lt3A_157 : i32
      %and3A_159 = arith.andi %not3A_156, %lt3A_158 : i1
      %convert_element_type3A_160 = arith.extui %and3A_159 : i1 to i32
      %cond3A_161 = arith.constant 0 : i32
      %cond3A_162 = arith.cmpi ne, %convert_element_type3A_160, %cond3A_161 : i32
      scf.if %cond3A_162 {
        %multiple_of3A_297 = tpu.assume_multiple %select_n3A_154, 8 : i32
        "tpu.region"() ({
          %run_scoped3A = tpu.sem_alloc : memref<!tpu.dma_semaphore, #tpu.memory_space<semaphore_mem>>
          %dma_start3A_298 = arith.constant 16 : i32
          %dma_start3A_299 = arith.constant 0 : i32
          %dma_start3A_300 = tpu.memref_slice %arg10[%dma_start3A_298, %dma_start3A_299] : memref<32x512xf32, #tpu.memory_space<vmem>> -> memref<8x512xf32, #tpu.memory_space<vmem>>
          %dma_start3A_301 = arith.constant 0 : i32
          %dma_start3A_302 = tpu.memref_slice %arg4[%multiple_of3A_297, %dma_start3A_301] : memref<4104x512xf32, #tpu.memory_space<hbm>> -> memref<8x512xf32, #tpu.memory_space<hbm>>
          %dma_start3A_303 = arith.constant 16 : i32
          %dma_start3A_304 = arith.constant 0 : i32
          %dma_start3A_305 = tpu.memref_slice %arg10[%dma_start3A_303, %dma_start3A_304] : memref<32x512xf32, #tpu.memory_space<vmem>> -> memref<8x512xf32, #tpu.memory_space<vmem>>
          %dma_start3A_306 = arith.constant 0 : i32
          %dma_start3A_307 = tpu.memref_slice %arg4[%multiple_of3A_297, %dma_start3A_306] : memref<4104x512xf32, #tpu.memory_space<hbm>> -> memref<8x512xf32, #tpu.memory_space<hbm>>
          tpu.enqueue_dma source(%dma_start3A_307 : memref<8x512xf32, #tpu.memory_space<hbm>>) target(%dma_start3A_305 : memref<8x512xf32, #tpu.memory_space<vmem>>) target_semaphore(%run_scoped3A : memref<!tpu.dma_semaphore, #tpu.memory_space<semaphore_mem>>)
          %dma_wait3A_308 = arith.constant 16 : i32
          %dma_wait3A_309 = arith.constant 0 : i32
          %dma_wait3A_310 = tpu.memref_slice %arg10[%dma_wait3A_308, %dma_wait3A_309] : memref<32x512xf32, #tpu.memory_space<vmem>> -> memref<8x512xf32, #tpu.memory_space<vmem>>
          %dma_wait3A_311 = arith.constant 0 : i32
          %dma_wait3A_312 = tpu.memref_slice %arg4[%multiple_of3A_297, %dma_wait3A_311] : memref<4104x512xf32, #tpu.memory_space<hbm>> -> memref<8x512xf32, #tpu.memory_space<hbm>>
          %dma_wait3A_313 = arith.constant 16 : i32
          %dma_wait3A_314 = arith.constant 0 : i32
          %dma_wait3A_315 = tpu.memref_slice %arg10[%dma_wait3A_313, %dma_wait3A_314] : memref<32x512xf32, #tpu.memory_space<vmem>> -> memref<8x512xf32, #tpu.memory_space<vmem>>
          %dma_wait3A_316 = arith.constant 0 : i32
          %dma_wait3A_317 = tpu.memref_slice %arg4[%multiple_of3A_297, %dma_wait3A_316] : memref<4104x512xf32, #tpu.memory_space<hbm>> -> memref<8x512xf32, #tpu.memory_space<hbm>>
          tpu.wait_dma2 semaphore(%run_scoped3A : memref<!tpu.dma_semaphore, #tpu.memory_space<semaphore_mem>>) src(%dma_wait3A_317 : memref<8x512xf32, #tpu.memory_space<hbm>>) dst(%dma_wait3A_315 : memref<8x512xf32, #tpu.memory_space<vmem>>)
          tpu.yield
        }) : () -> ()
        "tpu.region"() ({
          %run_scoped3A = tpu.sem_alloc : memref<!tpu.dma_semaphore, #tpu.memory_space<semaphore_mem>>
          %dma_start3A_298 = arith.constant 16 : i32
          %dma_start3A_299 = arith.constant 0 : i32
          %dma_start3A_300 = tpu.memref_slice %arg11[%dma_start3A_298, %dma_start3A_299] : memref<32x512xf32, #tpu.memory_space<vmem>> -> memref<8x512xf32, #tpu.memory_space<vmem>>
          %dma_start3A_301 = arith.constant 0 : i32
          %dma_start3A_302 = tpu.memref_slice %arg5[%multiple_of3A_297, %dma_start3A_301] : memref<4104x512xf32, #tpu.memory_space<hbm>> -> memref<8x512xf32, #tpu.memory_space<hbm>>
          %dma_start3A_303 = arith.constant 16 : i32
          %dma_start3A_304 = arith.constant 0 : i32
          %dma_start3A_305 = tpu.memref_slice %arg11[%dma_start3A_303, %dma_start3A_304] : memref<32x512xf32, #tpu.memory_space<vmem>> -> memref<8x512xf32, #tpu.memory_space<vmem>>
          %dma_start3A_306 = arith.constant 0 : i32
          %dma_start3A_307 = tpu.memref_slice %arg5[%multiple_of3A_297, %dma_start3A_306] : memref<4104x512xf32, #tpu.memory_space<hbm>> -> memref<8x512xf32, #tpu.memory_space<hbm>>
          tpu.enqueue_dma source(%dma_start3A_307 : memref<8x512xf32, #tpu.memory_space<hbm>>) target(%dma_start3A_305 : memref<8x512xf32, #tpu.memory_space<vmem>>) target_semaphore(%run_scoped3A : memref<!tpu.dma_semaphore, #tpu.memory_space<semaphore_mem>>)
          %dma_wait3A_308 = arith.constant 16 : i32
          %dma_wait3A_309 = arith.constant 0 : i32
          %dma_wait3A_310 = tpu.memref_slice %arg11[%dma_wait3A_308, %dma_wait3A_309] : memref<32x512xf32, #tpu.memory_space<vmem>> -> memref<8x512xf32, #tpu.memory_space<vmem>>
          %dma_wait3A_311 = arith.constant 0 : i32
          %dma_wait3A_312 = tpu.memref_slice %arg5[%multiple_of3A_297, %dma_wait3A_311] : memref<4104x512xf32, #tpu.memory_space<hbm>> -> memref<8x512xf32, #tpu.memory_space<hbm>>
          %dma_wait3A_313 = arith.constant 16 : i32
          %dma_wait3A_314 = arith.constant 0 : i32
          %dma_wait3A_315 = tpu.memref_slice %arg11[%dma_wait3A_313, %dma_wait3A_314] : memref<32x512xf32, #tpu.memory_space<vmem>> -> memref<8x512xf32, #tpu.memory_space<vmem>>
          %dma_wait3A_316 = arith.constant 0 : i32
          %dma_wait3A_317 = tpu.memref_slice %arg5[%multiple_of3A_297, %dma_wait3A_316] : memref<4104x512xf32, #tpu.memory_space<hbm>> -> memref<8x512xf32, #tpu.memory_space<hbm>>
          tpu.wait_dma2 semaphore(%run_scoped3A : memref<!tpu.dma_semaphore, #tpu.memory_space<semaphore_mem>>) src(%dma_wait3A_317 : memref<8x512xf32, #tpu.memory_space<hbm>>) dst(%dma_wait3A_315 : memref<8x512xf32, #tpu.memory_space<vmem>>)
          tpu.yield
        }) : () -> ()
        "tpu.region"() ({
          %run_scoped3A = tpu.sem_alloc : memref<!tpu.dma_semaphore, #tpu.memory_space<semaphore_mem>>
          %dma_start3A_298 = arith.constant 16 : i32
          %dma_start3A_299 = arith.constant 0 : i32
          %dma_start3A_300 = tpu.memref_slice %arg12[%dma_start3A_298, %dma_start3A_299] : memref<32x128xf32, #tpu.memory_space<vmem>> -> memref<8x128xf32, #tpu.memory_space<vmem>>
          %dma_start3A_301 = arith.constant 0 : i32
          %dma_start3A_302 = tpu.memref_slice %arg6[%multiple_of3A_297, %dma_start3A_301] : memref<4104x128xf32, #tpu.memory_space<hbm>> -> memref<8x128xf32, #tpu.memory_space<hbm>>
          %dma_start3A_303 = arith.constant 16 : i32
          %dma_start3A_304 = arith.constant 0 : i32
          %dma_start3A_305 = tpu.memref_slice %arg12[%dma_start3A_303, %dma_start3A_304] : memref<32x128xf32, #tpu.memory_space<vmem>> -> memref<8x128xf32, #tpu.memory_space<vmem>>
          %dma_start3A_306 = arith.constant 0 : i32
          %dma_start3A_307 = tpu.memref_slice %arg6[%multiple_of3A_297, %dma_start3A_306] : memref<4104x128xf32, #tpu.memory_space<hbm>> -> memref<8x128xf32, #tpu.memory_space<hbm>>
          tpu.enqueue_dma source(%dma_start3A_307 : memref<8x128xf32, #tpu.memory_space<hbm>>) target(%dma_start3A_305 : memref<8x128xf32, #tpu.memory_space<vmem>>) target_semaphore(%run_scoped3A : memref<!tpu.dma_semaphore, #tpu.memory_space<semaphore_mem>>)
          %dma_wait3A_308 = arith.constant 16 : i32
          %dma_wait3A_309 = arith.constant 0 : i32
          %dma_wait3A_310 = tpu.memref_slice %arg12[%dma_wait3A_308, %dma_wait3A_309] : memref<32x128xf32, #tpu.memory_space<vmem>> -> memref<8x128xf32, #tpu.memory_space<vmem>>
          %dma_wait3A_311 = arith.constant 0 : i32
          %dma_wait3A_312 = tpu.memref_slice %arg6[%multiple_of3A_297, %dma_wait3A_311] : memref<4104x128xf32, #tpu.memory_space<hbm>> -> memref<8x128xf32, #tpu.memory_space<hbm>>
          %dma_wait3A_313 = arith.constant 16 : i32
          %dma_wait3A_314 = arith.constant 0 : i32
          %dma_wait3A_315 = tpu.memref_slice %arg12[%dma_wait3A_313, %dma_wait3A_314] : memref<32x128xf32, #tpu.memory_space<vmem>> -> memref<8x128xf32, #tpu.memory_space<vmem>>
          %dma_wait3A_316 = arith.constant 0 : i32
          %dma_wait3A_317 = tpu.memref_slice %arg6[%multiple_of3A_297, %dma_wait3A_316] : memref<4104x128xf32, #tpu.memory_space<hbm>> -> memref<8x128xf32, #tpu.memory_space<hbm>>
          tpu.wait_dma2 semaphore(%run_scoped3A : memref<!tpu.dma_semaphore, #tpu.memory_space<semaphore_mem>>) src(%dma_wait3A_317 : memref<8x128xf32, #tpu.memory_space<hbm>>) dst(%dma_wait3A_315 : memref<8x128xf32, #tpu.memory_space<vmem>>)
          tpu.yield
        }) : () -> ()
      } else {
      }
      %add3A_163 = arith.constant 24 : i32
      %add3A_164 = arith.addi %select_n3A_117, %add3A_163 : i32
      %ge3A_165 = arith.constant 65536 : i32
      %ge3A_166 = arith.cmpi sge, %add3A_164, %ge3A_165 : i32
      %sub3A_167 = arith.constant 65536 : i32
      %sub3A_168 = arith.subi %add3A_164, %sub3A_167 : i32
      %select_n3A_169 = arith.select %ge3A_166, %sub3A_168, %add3A_164 : i32
      %not3A_170 = arith.constant true
      %not3A_171 = arith.xori %le3A_119, %not3A_170 : i1
      %lt3A_172 = arith.constant 4104 : i32
      %lt3A_173 = arith.cmpi slt, %select_n3A_169, %lt3A_172 : i32
      %and3A_174 = arith.andi %not3A_171, %lt3A_173 : i1
      %convert_element_type3A_175 = arith.extui %and3A_174 : i1 to i32
      %cond3A_176 = arith.constant 0 : i32
      %cond3A_177 = arith.cmpi ne, %convert_element_type3A_175, %cond3A_176 : i32
      scf.if %cond3A_177 {
        %multiple_of3A_297 = tpu.assume_multiple %select_n3A_169, 8 : i32
        "tpu.region"() ({
          %run_scoped3A = tpu.sem_alloc : memref<!tpu.dma_semaphore, #tpu.memory_space<semaphore_mem>>
          %dma_start3A_298 = arith.constant 24 : i32
          %dma_start3A_299 = arith.constant 0 : i32
          %dma_start3A_300 = tpu.memref_slice %arg10[%dma_start3A_298, %dma_start3A_299] : memref<32x512xf32, #tpu.memory_space<vmem>> -> memref<8x512xf32, #tpu.memory_space<vmem>>
          %dma_start3A_301 = arith.constant 0 : i32
          %dma_start3A_302 = tpu.memref_slice %arg4[%multiple_of3A_297, %dma_start3A_301] : memref<4104x512xf32, #tpu.memory_space<hbm>> -> memref<8x512xf32, #tpu.memory_space<hbm>>
          %dma_start3A_303 = arith.constant 24 : i32
          %dma_start3A_304 = arith.constant 0 : i32
          %dma_start3A_305 = tpu.memref_slice %arg10[%dma_start3A_303, %dma_start3A_304] : memref<32x512xf32, #tpu.memory_space<vmem>> -> memref<8x512xf32, #tpu.memory_space<vmem>>
          %dma_start3A_306 = arith.constant 0 : i32
          %dma_start3A_307 = tpu.memref_slice %arg4[%multiple_of3A_297, %dma_start3A_306] : memref<4104x512xf32, #tpu.memory_space<hbm>> -> memref<8x512xf32, #tpu.memory_space<hbm>>
          tpu.enqueue_dma source(%dma_start3A_307 : memref<8x512xf32, #tpu.memory_space<hbm>>) target(%dma_start3A_305 : memref<8x512xf32, #tpu.memory_space<vmem>>) target_semaphore(%run_scoped3A : memref<!tpu.dma_semaphore, #tpu.memory_space<semaphore_mem>>)
          %dma_wait3A_308 = arith.constant 24 : i32
          %dma_wait3A_309 = arith.constant 0 : i32
          %dma_wait3A_310 = tpu.memref_slice %arg10[%dma_wait3A_308, %dma_wait3A_309] : memref<32x512xf32, #tpu.memory_space<vmem>> -> memref<8x512xf32, #tpu.memory_space<vmem>>
          %dma_wait3A_311 = arith.constant 0 : i32
          %dma_wait3A_312 = tpu.memref_slice %arg4[%multiple_of3A_297, %dma_wait3A_311] : memref<4104x512xf32, #tpu.memory_space<hbm>> -> memref<8x512xf32, #tpu.memory_space<hbm>>
          %dma_wait3A_313 = arith.constant 24 : i32
          %dma_wait3A_314 = arith.constant 0 : i32
          %dma_wait3A_315 = tpu.memref_slice %arg10[%dma_wait3A_313, %dma_wait3A_314] : memref<32x512xf32, #tpu.memory_space<vmem>> -> memref<8x512xf32, #tpu.memory_space<vmem>>
          %dma_wait3A_316 = arith.constant 0 : i32
          %dma_wait3A_317 = tpu.memref_slice %arg4[%multiple_of3A_297, %dma_wait3A_316] : memref<4104x512xf32, #tpu.memory_space<hbm>> -> memref<8x512xf32, #tpu.memory_space<hbm>>
          tpu.wait_dma2 semaphore(%run_scoped3A : memref<!tpu.dma_semaphore, #tpu.memory_space<semaphore_mem>>) src(%dma_wait3A_317 : memref<8x512xf32, #tpu.memory_space<hbm>>) dst(%dma_wait3A_315 : memref<8x512xf32, #tpu.memory_space<vmem>>)
          tpu.yield
        }) : () -> ()
        "tpu.region"() ({
          %run_scoped3A = tpu.sem_alloc : memref<!tpu.dma_semaphore, #tpu.memory_space<semaphore_mem>>
          %dma_start3A_298 = arith.constant 24 : i32
          %dma_start3A_299 = arith.constant 0 : i32
          %dma_start3A_300 = tpu.memref_slice %arg11[%dma_start3A_298, %dma_start3A_299] : memref<32x512xf32, #tpu.memory_space<vmem>> -> memref<8x512xf32, #tpu.memory_space<vmem>>
          %dma_start3A_301 = arith.constant 0 : i32
          %dma_start3A_302 = tpu.memref_slice %arg5[%multiple_of3A_297, %dma_start3A_301] : memref<4104x512xf32, #tpu.memory_space<hbm>> -> memref<8x512xf32, #tpu.memory_space<hbm>>
          %dma_start3A_303 = arith.constant 24 : i32
          %dma_start3A_304 = arith.constant 0 : i32
          %dma_start3A_305 = tpu.memref_slice %arg11[%dma_start3A_303, %dma_start3A_304] : memref<32x512xf32, #tpu.memory_space<vmem>> -> memref<8x512xf32, #tpu.memory_space<vmem>>
          %dma_start3A_306 = arith.constant 0 : i32
          %dma_start3A_307 = tpu.memref_slice %arg5[%multiple_of3A_297, %dma_start3A_306] : memref<4104x512xf32, #tpu.memory_space<hbm>> -> memref<8x512xf32, #tpu.memory_space<hbm>>
          tpu.enqueue_dma source(%dma_start3A_307 : memref<8x512xf32, #tpu.memory_space<hbm>>) target(%dma_start3A_305 : memref<8x512xf32, #tpu.memory_space<vmem>>) target_semaphore(%run_scoped3A : memref<!tpu.dma_semaphore, #tpu.memory_space<semaphore_mem>>)
          %dma_wait3A_308 = arith.constant 24 : i32
          %dma_wait3A_309 = arith.constant 0 : i32
          %dma_wait3A_310 = tpu.memref_slice %arg11[%dma_wait3A_308, %dma_wait3A_309] : memref<32x512xf32, #tpu.memory_space<vmem>> -> memref<8x512xf32, #tpu.memory_space<vmem>>
          %dma_wait3A_311 = arith.constant 0 : i32
          %dma_wait3A_312 = tpu.memref_slice %arg5[%multiple_of3A_297, %dma_wait3A_311] : memref<4104x512xf32, #tpu.memory_space<hbm>> -> memref<8x512xf32, #tpu.memory_space<hbm>>
          %dma_wait3A_313 = arith.constant 24 : i32
          %dma_wait3A_314 = arith.constant 0 : i32
          %dma_wait3A_315 = tpu.memref_slice %arg11[%dma_wait3A_313, %dma_wait3A_314] : memref<32x512xf32, #tpu.memory_space<vmem>> -> memref<8x512xf32, #tpu.memory_space<vmem>>
          %dma_wait3A_316 = arith.constant 0 : i32
          %dma_wait3A_317 = tpu.memref_slice %arg5[%multiple_of3A_297, %dma_wait3A_316] : memref<4104x512xf32, #tpu.memory_space<hbm>> -> memref<8x512xf32, #tpu.memory_space<hbm>>
          tpu.wait_dma2 semaphore(%run_scoped3A : memref<!tpu.dma_semaphore, #tpu.memory_space<semaphore_mem>>) src(%dma_wait3A_317 : memref<8x512xf32, #tpu.memory_space<hbm>>) dst(%dma_wait3A_315 : memref<8x512xf32, #tpu.memory_space<vmem>>)
          tpu.yield
        }) : () -> ()
        "tpu.region"() ({
          %run_scoped3A = tpu.sem_alloc : memref<!tpu.dma_semaphore, #tpu.memory_space<semaphore_mem>>
          %dma_start3A_298 = arith.constant 24 : i32
          %dma_start3A_299 = arith.constant 0 : i32
          %dma_start3A_300 = tpu.memref_slice %arg12[%dma_start3A_298, %dma_start3A_299] : memref<32x128xf32, #tpu.memory_space<vmem>> -> memref<8x128xf32, #tpu.memory_space<vmem>>
          %dma_start3A_301 = arith.constant 0 : i32
          %dma_start3A_302 = tpu.memref_slice %arg6[%multiple_of3A_297, %dma_start3A_301] : memref<4104x128xf32, #tpu.memory_space<hbm>> -> memref<8x128xf32, #tpu.memory_space<hbm>>
          %dma_start3A_303 = arith.constant 24 : i32
          %dma_start3A_304 = arith.constant 0 : i32
          %dma_start3A_305 = tpu.memref_slice %arg12[%dma_start3A_303, %dma_start3A_304] : memref<32x128xf32, #tpu.memory_space<vmem>> -> memref<8x128xf32, #tpu.memory_space<vmem>>
          %dma_start3A_306 = arith.constant 0 : i32
          %dma_start3A_307 = tpu.memref_slice %arg6[%multiple_of3A_297, %dma_start3A_306] : memref<4104x128xf32, #tpu.memory_space<hbm>> -> memref<8x128xf32, #tpu.memory_space<hbm>>
          tpu.enqueue_dma source(%dma_start3A_307 : memref<8x128xf32, #tpu.memory_space<hbm>>) target(%dma_start3A_305 : memref<8x128xf32, #tpu.memory_space<vmem>>) target_semaphore(%run_scoped3A : memref<!tpu.dma_semaphore, #tpu.memory_space<semaphore_mem>>)
          %dma_wait3A_308 = arith.constant 24 : i32
          %dma_wait3A_309 = arith.constant 0 : i32
          %dma_wait3A_310 = tpu.memref_slice %arg12[%dma_wait3A_308, %dma_wait3A_309] : memref<32x128xf32, #tpu.memory_space<vmem>> -> memref<8x128xf32, #tpu.memory_space<vmem>>
          %dma_wait3A_311 = arith.constant 0 : i32
          %dma_wait3A_312 = tpu.memref_slice %arg6[%multiple_of3A_297, %dma_wait3A_311] : memref<4104x128xf32, #tpu.memory_space<hbm>> -> memref<8x128xf32, #tpu.memory_space<hbm>>
          %dma_wait3A_313 = arith.constant 24 : i32
          %dma_wait3A_314 = arith.constant 0 : i32
          %dma_wait3A_315 = tpu.memref_slice %arg12[%dma_wait3A_313, %dma_wait3A_314] : memref<32x128xf32, #tpu.memory_space<vmem>> -> memref<8x128xf32, #tpu.memory_space<vmem>>
          %dma_wait3A_316 = arith.constant 0 : i32
          %dma_wait3A_317 = tpu.memref_slice %arg6[%multiple_of3A_297, %dma_wait3A_316] : memref<4104x128xf32, #tpu.memory_space<hbm>> -> memref<8x128xf32, #tpu.memory_space<hbm>>
          tpu.wait_dma2 semaphore(%run_scoped3A : memref<!tpu.dma_semaphore, #tpu.memory_space<semaphore_mem>>) src(%dma_wait3A_317 : memref<8x128xf32, #tpu.memory_space<hbm>>) dst(%dma_wait3A_315 : memref<8x128xf32, #tpu.memory_space<vmem>>)
          tpu.yield
        }) : () -> ()
      } else {
      }
      %dma_start3A = arith.constant 0 : i32
      %dma_start3A_178 = tpu.memref_slice %arg8[%multiple_of3A_60, %dma_start3A] : memref<65536x1026xf32, #tpu.memory_space<hbm>> -> memref<32x512xf32, #tpu.memory_space<hbm>>
      %dma_start3A_179 = arith.constant 0 : i32
      %dma_start3A_180 = tpu.memref_slice %arg8[%multiple_of3A_60, %dma_start3A_179] : memref<65536x1026xf32, #tpu.memory_space<hbm>> -> memref<32x512xf32, #tpu.memory_space<hbm>>
      tpu.enqueue_dma source(%arg10 : memref<32x512xf32, #tpu.memory_space<vmem>>) target(%dma_start3A_180 : memref<32x512xf32, #tpu.memory_space<hbm>>) target_semaphore(%arg19 : memref<!tpu.dma_semaphore, #tpu.memory_space<semaphore_mem>>)
      %dma_start3A_181 = arith.constant 512 : i32
      %dma_start3A_182 = tpu.memref_slice %arg8[%multiple_of3A_60, %dma_start3A_181] : memref<65536x1026xf32, #tpu.memory_space<hbm>> -> memref<32x512xf32, #tpu.memory_space<hbm>>
      %dma_start3A_183 = arith.constant 512 : i32
      %dma_start3A_184 = tpu.memref_slice %arg8[%multiple_of3A_60, %dma_start3A_183] : memref<65536x1026xf32, #tpu.memory_space<hbm>> -> memref<32x512xf32, #tpu.memory_space<hbm>>
      tpu.enqueue_dma source(%arg11 : memref<32x512xf32, #tpu.memory_space<vmem>>) target(%dma_start3A_184 : memref<32x512xf32, #tpu.memory_space<hbm>>) target_semaphore(%arg19 : memref<!tpu.dma_semaphore, #tpu.memory_space<semaphore_mem>>)
      %dma_start3A_185 = arith.constant 0 : i32
      %dma_start3A_186 = tpu.memref_slice %arg9[%multiple_of3A_60, %dma_start3A_185] : memref<65536x128xf32, #tpu.memory_space<hbm>> -> memref<32x128xf32, #tpu.memory_space<hbm>>
      %dma_start3A_187 = arith.constant 0 : i32
      %dma_start3A_188 = tpu.memref_slice %arg9[%multiple_of3A_60, %dma_start3A_187] : memref<65536x128xf32, #tpu.memory_space<hbm>> -> memref<32x128xf32, #tpu.memory_space<hbm>>
      tpu.enqueue_dma source(%arg12 : memref<32x128xf32, #tpu.memory_space<vmem>>) target(%dma_start3A_188 : memref<32x128xf32, #tpu.memory_space<hbm>>) target_semaphore(%arg19 : memref<!tpu.dma_semaphore, #tpu.memory_space<semaphore_mem>>)
      %sub3A_189 = arith.subi %multiple_of3A_68, %squeeze3A : i32
      %lt3A_190 = arith.constant 0 : i32
      %lt3A_191 = arith.cmpi slt, %sub3A_189, %lt3A_190 : i32
      %add3A_192 = arith.constant 65536 : i32
      %add3A_193 = arith.addi %sub3A_189, %add3A_192 : i32
      %select_n3A_194 = arith.select %lt3A_191, %add3A_193, %sub3A_189 : i32
      %dma_wait3A_195 = arith.constant 0 : i32
      %dma_wait3A_196 = arith.constant 0 : i32
      %dma_wait3A_197 = tpu.memref_slice %arg2[%dma_wait3A_195, %dma_wait3A_196] : memref<65536x512xf32, #tpu.memory_space<hbm>> -> memref<32x512xf32, #tpu.memory_space<hbm>>
      %dma_wait3A_198 = arith.constant 0 : i32
      %dma_wait3A_199 = arith.constant 0 : i32
      %dma_wait3A_200 = tpu.memref_slice %arg2[%dma_wait3A_198, %dma_wait3A_199] : memref<65536x512xf32, #tpu.memory_space<hbm>> -> memref<32x512xf32, #tpu.memory_space<hbm>>
      tpu.wait_dma2 semaphore(%arg18 : memref<!tpu.dma_semaphore, #tpu.memory_space<semaphore_mem>>) src(%dma_wait3A_200 : memref<32x512xf32, #tpu.memory_space<hbm>>) dst(%arg13 : memref<32x512xf32, #tpu.memory_space<vmem>>)
      %dma_wait3A_201 = arith.constant 0 : i32
      %dma_wait3A_202 = arith.constant 0 : i32
      %dma_wait3A_203 = tpu.memref_slice %arg3[%dma_wait3A_201, %dma_wait3A_202] : memref<65536x512xf32, #tpu.memory_space<hbm>> -> memref<32x512xf32, #tpu.memory_space<hbm>>
      %dma_wait3A_204 = arith.constant 0 : i32
      %dma_wait3A_205 = arith.constant 0 : i32
      %dma_wait3A_206 = tpu.memref_slice %arg3[%dma_wait3A_204, %dma_wait3A_205] : memref<65536x512xf32, #tpu.memory_space<hbm>> -> memref<32x512xf32, #tpu.memory_space<hbm>>
      tpu.wait_dma2 semaphore(%arg18 : memref<!tpu.dma_semaphore, #tpu.memory_space<semaphore_mem>>) src(%dma_wait3A_206 : memref<32x512xf32, #tpu.memory_space<hbm>>) dst(%arg14 : memref<32x512xf32, #tpu.memory_space<vmem>>)
      %le3A_207 = arith.constant 4072 : i32
      %le3A_208 = arith.cmpi sle, %select_n3A_194, %le3A_207 : i32
      %convert_element_type3A_209 = arith.extui %le3A_208 : i1 to i32
      %cond3A_210 = arith.constant 0 : i32
      %cond3A_211 = arith.cmpi ne, %convert_element_type3A_209, %cond3A_210 : i32
      scf.if %cond3A_211 {
        %dma_wait3A_297 = arith.constant 0 : i32
        %dma_wait3A_298 = arith.constant 0 : i32
        %dma_wait3A_299 = tpu.memref_slice %arg6[%dma_wait3A_297, %dma_wait3A_298] : memref<4104x128xf32, #tpu.memory_space<hbm>> -> memref<32x128xf32, #tpu.memory_space<hbm>>
        %dma_wait3A_300 = arith.constant 0 : i32
        %dma_wait3A_301 = arith.constant 0 : i32
        %dma_wait3A_302 = tpu.memref_slice %arg6[%dma_wait3A_300, %dma_wait3A_301] : memref<4104x128xf32, #tpu.memory_space<hbm>> -> memref<32x128xf32, #tpu.memory_space<hbm>>
        tpu.wait_dma2 semaphore(%arg18 : memref<!tpu.dma_semaphore, #tpu.memory_space<semaphore_mem>>) src(%dma_wait3A_302 : memref<32x128xf32, #tpu.memory_space<hbm>>) dst(%arg15 : memref<32x128xf32, #tpu.memory_space<vmem>>)
      } else {
      }
      %sub3A_212 = arith.subi %multiple_of3A_68, %squeeze3A : i32
      %lt3A_213 = arith.constant 0 : i32
      %lt3A_214 = arith.cmpi slt, %sub3A_212, %lt3A_213 : i32
      %add3A_215 = arith.constant 65536 : i32
      %add3A_216 = arith.addi %sub3A_212, %add3A_215 : i32
      %select_n3A_217 = arith.select %lt3A_214, %add3A_216, %sub3A_212 : i32
      %le3A_218 = arith.constant 4072 : i32
      %le3A_219 = arith.cmpi sle, %select_n3A_217, %le3A_218 : i32
      %add3A_220 = arith.constant 0 : i32
      %add3A_221 = arith.addi %select_n3A_217, %add3A_220 : i32
      %ge3A_222 = arith.constant 65536 : i32
      %ge3A_223 = arith.cmpi sge, %add3A_221, %ge3A_222 : i32
      %sub3A_224 = arith.constant 65536 : i32
      %sub3A_225 = arith.subi %add3A_221, %sub3A_224 : i32
      %select_n3A_226 = arith.select %ge3A_223, %sub3A_225, %add3A_221 : i32
      %not3A_227 = arith.constant true
      %not3A_228 = arith.xori %le3A_219, %not3A_227 : i1
      %lt3A_229 = arith.constant 4104 : i32
      %lt3A_230 = arith.cmpi slt, %select_n3A_226, %lt3A_229 : i32
      %and3A_231 = arith.andi %not3A_228, %lt3A_230 : i1
      %convert_element_type3A_232 = arith.extui %and3A_231 : i1 to i32
      %cond3A_233 = arith.constant 0 : i32
      %cond3A_234 = arith.cmpi ne, %convert_element_type3A_232, %cond3A_233 : i32
      scf.if %cond3A_234 {
        %multiple_of3A_297 = tpu.assume_multiple %select_n3A_226, 8 : i32
        "tpu.region"() ({
          %run_scoped3A = tpu.sem_alloc : memref<!tpu.dma_semaphore, #tpu.memory_space<semaphore_mem>>
          %dma_start3A_298 = arith.constant 0 : i32
          %dma_start3A_299 = arith.constant 0 : i32
          %dma_start3A_300 = tpu.memref_slice %arg13[%dma_start3A_298, %dma_start3A_299] : memref<32x512xf32, #tpu.memory_space<vmem>> -> memref<8x512xf32, #tpu.memory_space<vmem>>
          %dma_start3A_301 = arith.constant 0 : i32
          %dma_start3A_302 = tpu.memref_slice %arg4[%multiple_of3A_297, %dma_start3A_301] : memref<4104x512xf32, #tpu.memory_space<hbm>> -> memref<8x512xf32, #tpu.memory_space<hbm>>
          %dma_start3A_303 = arith.constant 0 : i32
          %dma_start3A_304 = arith.constant 0 : i32
          %dma_start3A_305 = tpu.memref_slice %arg13[%dma_start3A_303, %dma_start3A_304] : memref<32x512xf32, #tpu.memory_space<vmem>> -> memref<8x512xf32, #tpu.memory_space<vmem>>
          %dma_start3A_306 = arith.constant 0 : i32
          %dma_start3A_307 = tpu.memref_slice %arg4[%multiple_of3A_297, %dma_start3A_306] : memref<4104x512xf32, #tpu.memory_space<hbm>> -> memref<8x512xf32, #tpu.memory_space<hbm>>
          tpu.enqueue_dma source(%dma_start3A_307 : memref<8x512xf32, #tpu.memory_space<hbm>>) target(%dma_start3A_305 : memref<8x512xf32, #tpu.memory_space<vmem>>) target_semaphore(%run_scoped3A : memref<!tpu.dma_semaphore, #tpu.memory_space<semaphore_mem>>)
          %dma_wait3A_308 = arith.constant 0 : i32
          %dma_wait3A_309 = arith.constant 0 : i32
          %dma_wait3A_310 = tpu.memref_slice %arg13[%dma_wait3A_308, %dma_wait3A_309] : memref<32x512xf32, #tpu.memory_space<vmem>> -> memref<8x512xf32, #tpu.memory_space<vmem>>
          %dma_wait3A_311 = arith.constant 0 : i32
          %dma_wait3A_312 = tpu.memref_slice %arg4[%multiple_of3A_297, %dma_wait3A_311] : memref<4104x512xf32, #tpu.memory_space<hbm>> -> memref<8x512xf32, #tpu.memory_space<hbm>>
          %dma_wait3A_313 = arith.constant 0 : i32
          %dma_wait3A_314 = arith.constant 0 : i32
          %dma_wait3A_315 = tpu.memref_slice %arg13[%dma_wait3A_313, %dma_wait3A_314] : memref<32x512xf32, #tpu.memory_space<vmem>> -> memref<8x512xf32, #tpu.memory_space<vmem>>
          %dma_wait3A_316 = arith.constant 0 : i32
          %dma_wait3A_317 = tpu.memref_slice %arg4[%multiple_of3A_297, %dma_wait3A_316] : memref<4104x512xf32, #tpu.memory_space<hbm>> -> memref<8x512xf32, #tpu.memory_space<hbm>>
          tpu.wait_dma2 semaphore(%run_scoped3A : memref<!tpu.dma_semaphore, #tpu.memory_space<semaphore_mem>>) src(%dma_wait3A_317 : memref<8x512xf32, #tpu.memory_space<hbm>>) dst(%dma_wait3A_315 : memref<8x512xf32, #tpu.memory_space<vmem>>)
          tpu.yield
        }) : () -> ()
        "tpu.region"() ({
          %run_scoped3A = tpu.sem_alloc : memref<!tpu.dma_semaphore, #tpu.memory_space<semaphore_mem>>
          %dma_start3A_298 = arith.constant 0 : i32
          %dma_start3A_299 = arith.constant 0 : i32
          %dma_start3A_300 = tpu.memref_slice %arg14[%dma_start3A_298, %dma_start3A_299] : memref<32x512xf32, #tpu.memory_space<vmem>> -> memref<8x512xf32, #tpu.memory_space<vmem>>
          %dma_start3A_301 = arith.constant 0 : i32
          %dma_start3A_302 = tpu.memref_slice %arg5[%multiple_of3A_297, %dma_start3A_301] : memref<4104x512xf32, #tpu.memory_space<hbm>> -> memref<8x512xf32, #tpu.memory_space<hbm>>
          %dma_start3A_303 = arith.constant 0 : i32
          %dma_start3A_304 = arith.constant 0 : i32
          %dma_start3A_305 = tpu.memref_slice %arg14[%dma_start3A_303, %dma_start3A_304] : memref<32x512xf32, #tpu.memory_space<vmem>> -> memref<8x512xf32, #tpu.memory_space<vmem>>
          %dma_start3A_306 = arith.constant 0 : i32
          %dma_start3A_307 = tpu.memref_slice %arg5[%multiple_of3A_297, %dma_start3A_306] : memref<4104x512xf32, #tpu.memory_space<hbm>> -> memref<8x512xf32, #tpu.memory_space<hbm>>
          tpu.enqueue_dma source(%dma_start3A_307 : memref<8x512xf32, #tpu.memory_space<hbm>>) target(%dma_start3A_305 : memref<8x512xf32, #tpu.memory_space<vmem>>) target_semaphore(%run_scoped3A : memref<!tpu.dma_semaphore, #tpu.memory_space<semaphore_mem>>)
          %dma_wait3A_308 = arith.constant 0 : i32
          %dma_wait3A_309 = arith.constant 0 : i32
          %dma_wait3A_310 = tpu.memref_slice %arg14[%dma_wait3A_308, %dma_wait3A_309] : memref<32x512xf32, #tpu.memory_space<vmem>> -> memref<8x512xf32, #tpu.memory_space<vmem>>
          %dma_wait3A_311 = arith.constant 0 : i32
          %dma_wait3A_312 = tpu.memref_slice %arg5[%multiple_of3A_297, %dma_wait3A_311] : memref<4104x512xf32, #tpu.memory_space<hbm>> -> memref<8x512xf32, #tpu.memory_space<hbm>>
          %dma_wait3A_313 = arith.constant 0 : i32
          %dma_wait3A_314 = arith.constant 0 : i32
          %dma_wait3A_315 = tpu.memref_slice %arg14[%dma_wait3A_313, %dma_wait3A_314] : memref<32x512xf32, #tpu.memory_space<vmem>> -> memref<8x512xf32, #tpu.memory_space<vmem>>
          %dma_wait3A_316 = arith.constant 0 : i32
          %dma_wait3A_317 = tpu.memref_slice %arg5[%multiple_of3A_297, %dma_wait3A_316] : memref<4104x512xf32, #tpu.memory_space<hbm>> -> memref<8x512xf32, #tpu.memory_space<hbm>>
          tpu.wait_dma2 semaphore(%run_scoped3A : memref<!tpu.dma_semaphore, #tpu.memory_space<semaphore_mem>>) src(%dma_wait3A_317 : memref<8x512xf32, #tpu.memory_space<hbm>>) dst(%dma_wait3A_315 : memref<8x512xf32, #tpu.memory_space<vmem>>)
          tpu.yield
        }) : () -> ()
        "tpu.region"() ({
          %run_scoped3A = tpu.sem_alloc : memref<!tpu.dma_semaphore, #tpu.memory_space<semaphore_mem>>
          %dma_start3A_298 = arith.constant 0 : i32
          %dma_start3A_299 = arith.constant 0 : i32
          %dma_start3A_300 = tpu.memref_slice %arg15[%dma_start3A_298, %dma_start3A_299] : memref<32x128xf32, #tpu.memory_space<vmem>> -> memref<8x128xf32, #tpu.memory_space<vmem>>
          %dma_start3A_301 = arith.constant 0 : i32
          %dma_start3A_302 = tpu.memref_slice %arg6[%multiple_of3A_297, %dma_start3A_301] : memref<4104x128xf32, #tpu.memory_space<hbm>> -> memref<8x128xf32, #tpu.memory_space<hbm>>
          %dma_start3A_303 = arith.constant 0 : i32
          %dma_start3A_304 = arith.constant 0 : i32
          %dma_start3A_305 = tpu.memref_slice %arg15[%dma_start3A_303, %dma_start3A_304] : memref<32x128xf32, #tpu.memory_space<vmem>> -> memref<8x128xf32, #tpu.memory_space<vmem>>
          %dma_start3A_306 = arith.constant 0 : i32
          %dma_start3A_307 = tpu.memref_slice %arg6[%multiple_of3A_297, %dma_start3A_306] : memref<4104x128xf32, #tpu.memory_space<hbm>> -> memref<8x128xf32, #tpu.memory_space<hbm>>
          tpu.enqueue_dma source(%dma_start3A_307 : memref<8x128xf32, #tpu.memory_space<hbm>>) target(%dma_start3A_305 : memref<8x128xf32, #tpu.memory_space<vmem>>) target_semaphore(%run_scoped3A : memref<!tpu.dma_semaphore, #tpu.memory_space<semaphore_mem>>)
          %dma_wait3A_308 = arith.constant 0 : i32
          %dma_wait3A_309 = arith.constant 0 : i32
          %dma_wait3A_310 = tpu.memref_slice %arg15[%dma_wait3A_308, %dma_wait3A_309] : memref<32x128xf32, #tpu.memory_space<vmem>> -> memref<8x128xf32, #tpu.memory_space<vmem>>
          %dma_wait3A_311 = arith.constant 0 : i32
          %dma_wait3A_312 = tpu.memref_slice %arg6[%multiple_of3A_297, %dma_wait3A_311] : memref<4104x128xf32, #tpu.memory_space<hbm>> -> memref<8x128xf32, #tpu.memory_space<hbm>>
          %dma_wait3A_313 = arith.constant 0 : i32
          %dma_wait3A_314 = arith.constant 0 : i32
          %dma_wait3A_315 = tpu.memref_slice %arg15[%dma_wait3A_313, %dma_wait3A_314] : memref<32x128xf32, #tpu.memory_space<vmem>> -> memref<8x128xf32, #tpu.memory_space<vmem>>
          %dma_wait3A_316 = arith.constant 0 : i32
          %dma_wait3A_317 = tpu.memref_slice %arg6[%multiple_of3A_297, %dma_wait3A_316] : memref<4104x128xf32, #tpu.memory_space<hbm>> -> memref<8x128xf32, #tpu.memory_space<hbm>>
          tpu.wait_dma2 semaphore(%run_scoped3A : memref<!tpu.dma_semaphore, #tpu.memory_space<semaphore_mem>>) src(%dma_wait3A_317 : memref<8x128xf32, #tpu.memory_space<hbm>>) dst(%dma_wait3A_315 : memref<8x128xf32, #tpu.memory_space<vmem>>)
          tpu.yield
        }) : () -> ()
      } else {
      }
      %add3A_235 = arith.constant 8 : i32
      %add3A_236 = arith.addi %select_n3A_217, %add3A_235 : i32
      %ge3A_237 = arith.constant 65536 : i32
      %ge3A_238 = arith.cmpi sge, %add3A_236, %ge3A_237 : i32
      %sub3A_239 = arith.constant 65536 : i32
      %sub3A_240 = arith.subi %add3A_236, %sub3A_239 : i32
      %select_n3A_241 = arith.select %ge3A_238, %sub3A_240, %add3A_236 : i32
      %not3A_242 = arith.constant true
      %not3A_243 = arith.xori %le3A_219, %not3A_242 : i1
      %lt3A_244 = arith.constant 4104 : i32
      %lt3A_245 = arith.cmpi slt, %select_n3A_241, %lt3A_244 : i32
      %and3A_246 = arith.andi %not3A_243, %lt3A_245 : i1
      %convert_element_type3A_247 = arith.extui %and3A_246 : i1 to i32
      %cond3A_248 = arith.constant 0 : i32
      %cond3A_249 = arith.cmpi ne, %convert_element_type3A_247, %cond3A_248 : i32
      scf.if %cond3A_249 {
        %multiple_of3A_297 = tpu.assume_multiple %select_n3A_241, 8 : i32
        "tpu.region"() ({
          %run_scoped3A = tpu.sem_alloc : memref<!tpu.dma_semaphore, #tpu.memory_space<semaphore_mem>>
          %dma_start3A_298 = arith.constant 8 : i32
          %dma_start3A_299 = arith.constant 0 : i32
          %dma_start3A_300 = tpu.memref_slice %arg13[%dma_start3A_298, %dma_start3A_299] : memref<32x512xf32, #tpu.memory_space<vmem>> -> memref<8x512xf32, #tpu.memory_space<vmem>>
          %dma_start3A_301 = arith.constant 0 : i32
          %dma_start3A_302 = tpu.memref_slice %arg4[%multiple_of3A_297, %dma_start3A_301] : memref<4104x512xf32, #tpu.memory_space<hbm>> -> memref<8x512xf32, #tpu.memory_space<hbm>>
          %dma_start3A_303 = arith.constant 8 : i32
          %dma_start3A_304 = arith.constant 0 : i32
          %dma_start3A_305 = tpu.memref_slice %arg13[%dma_start3A_303, %dma_start3A_304] : memref<32x512xf32, #tpu.memory_space<vmem>> -> memref<8x512xf32, #tpu.memory_space<vmem>>
          %dma_start3A_306 = arith.constant 0 : i32
          %dma_start3A_307 = tpu.memref_slice %arg4[%multiple_of3A_297, %dma_start3A_306] : memref<4104x512xf32, #tpu.memory_space<hbm>> -> memref<8x512xf32, #tpu.memory_space<hbm>>
          tpu.enqueue_dma source(%dma_start3A_307 : memref<8x512xf32, #tpu.memory_space<hbm>>) target(%dma_start3A_305 : memref<8x512xf32, #tpu.memory_space<vmem>>) target_semaphore(%run_scoped3A : memref<!tpu.dma_semaphore, #tpu.memory_space<semaphore_mem>>)
          %dma_wait3A_308 = arith.constant 8 : i32
          %dma_wait3A_309 = arith.constant 0 : i32
          %dma_wait3A_310 = tpu.memref_slice %arg13[%dma_wait3A_308, %dma_wait3A_309] : memref<32x512xf32, #tpu.memory_space<vmem>> -> memref<8x512xf32, #tpu.memory_space<vmem>>
          %dma_wait3A_311 = arith.constant 0 : i32
          %dma_wait3A_312 = tpu.memref_slice %arg4[%multiple_of3A_297, %dma_wait3A_311] : memref<4104x512xf32, #tpu.memory_space<hbm>> -> memref<8x512xf32, #tpu.memory_space<hbm>>
          %dma_wait3A_313 = arith.constant 8 : i32
          %dma_wait3A_314 = arith.constant 0 : i32
          %dma_wait3A_315 = tpu.memref_slice %arg13[%dma_wait3A_313, %dma_wait3A_314] : memref<32x512xf32, #tpu.memory_space<vmem>> -> memref<8x512xf32, #tpu.memory_space<vmem>>
          %dma_wait3A_316 = arith.constant 0 : i32
          %dma_wait3A_317 = tpu.memref_slice %arg4[%multiple_of3A_297, %dma_wait3A_316] : memref<4104x512xf32, #tpu.memory_space<hbm>> -> memref<8x512xf32, #tpu.memory_space<hbm>>
          tpu.wait_dma2 semaphore(%run_scoped3A : memref<!tpu.dma_semaphore, #tpu.memory_space<semaphore_mem>>) src(%dma_wait3A_317 : memref<8x512xf32, #tpu.memory_space<hbm>>) dst(%dma_wait3A_315 : memref<8x512xf32, #tpu.memory_space<vmem>>)
          tpu.yield
        }) : () -> ()
        "tpu.region"() ({
          %run_scoped3A = tpu.sem_alloc : memref<!tpu.dma_semaphore, #tpu.memory_space<semaphore_mem>>
          %dma_start3A_298 = arith.constant 8 : i32
          %dma_start3A_299 = arith.constant 0 : i32
          %dma_start3A_300 = tpu.memref_slice %arg14[%dma_start3A_298, %dma_start3A_299] : memref<32x512xf32, #tpu.memory_space<vmem>> -> memref<8x512xf32, #tpu.memory_space<vmem>>
          %dma_start3A_301 = arith.constant 0 : i32
          %dma_start3A_302 = tpu.memref_slice %arg5[%multiple_of3A_297, %dma_start3A_301] : memref<4104x512xf32, #tpu.memory_space<hbm>> -> memref<8x512xf32, #tpu.memory_space<hbm>>
          %dma_start3A_303 = arith.constant 8 : i32
          %dma_start3A_304 = arith.constant 0 : i32
          %dma_start3A_305 = tpu.memref_slice %arg14[%dma_start3A_303, %dma_start3A_304] : memref<32x512xf32, #tpu.memory_space<vmem>> -> memref<8x512xf32, #tpu.memory_space<vmem>>
          %dma_start3A_306 = arith.constant 0 : i32
          %dma_start3A_307 = tpu.memref_slice %arg5[%multiple_of3A_297, %dma_start3A_306] : memref<4104x512xf32, #tpu.memory_space<hbm>> -> memref<8x512xf32, #tpu.memory_space<hbm>>
          tpu.enqueue_dma source(%dma_start3A_307 : memref<8x512xf32, #tpu.memory_space<hbm>>) target(%dma_start3A_305 : memref<8x512xf32, #tpu.memory_space<vmem>>) target_semaphore(%run_scoped3A : memref<!tpu.dma_semaphore, #tpu.memory_space<semaphore_mem>>)
          %dma_wait3A_308 = arith.constant 8 : i32
          %dma_wait3A_309 = arith.constant 0 : i32
          %dma_wait3A_310 = tpu.memref_slice %arg14[%dma_wait3A_308, %dma_wait3A_309] : memref<32x512xf32, #tpu.memory_space<vmem>> -> memref<8x512xf32, #tpu.memory_space<vmem>>
          %dma_wait3A_311 = arith.constant 0 : i32
          %dma_wait3A_312 = tpu.memref_slice %arg5[%multiple_of3A_297, %dma_wait3A_311] : memref<4104x512xf32, #tpu.memory_space<hbm>> -> memref<8x512xf32, #tpu.memory_space<hbm>>
          %dma_wait3A_313 = arith.constant 8 : i32
          %dma_wait3A_314 = arith.constant 0 : i32
          %dma_wait3A_315 = tpu.memref_slice %arg14[%dma_wait3A_313, %dma_wait3A_314] : memref<32x512xf32, #tpu.memory_space<vmem>> -> memref<8x512xf32, #tpu.memory_space<vmem>>
          %dma_wait3A_316 = arith.constant 0 : i32
          %dma_wait3A_317 = tpu.memref_slice %arg5[%multiple_of3A_297, %dma_wait3A_316] : memref<4104x512xf32, #tpu.memory_space<hbm>> -> memref<8x512xf32, #tpu.memory_space<hbm>>
          tpu.wait_dma2 semaphore(%run_scoped3A : memref<!tpu.dma_semaphore, #tpu.memory_space<semaphore_mem>>) src(%dma_wait3A_317 : memref<8x512xf32, #tpu.memory_space<hbm>>) dst(%dma_wait3A_315 : memref<8x512xf32, #tpu.memory_space<vmem>>)
          tpu.yield
        }) : () -> ()
        "tpu.region"() ({
          %run_scoped3A = tpu.sem_alloc : memref<!tpu.dma_semaphore, #tpu.memory_space<semaphore_mem>>
          %dma_start3A_298 = arith.constant 8 : i32
          %dma_start3A_299 = arith.constant 0 : i32
          %dma_start3A_300 = tpu.memref_slice %arg15[%dma_start3A_298, %dma_start3A_299] : memref<32x128xf32, #tpu.memory_space<vmem>> -> memref<8x128xf32, #tpu.memory_space<vmem>>
          %dma_start3A_301 = arith.constant 0 : i32
          %dma_start3A_302 = tpu.memref_slice %arg6[%multiple_of3A_297, %dma_start3A_301] : memref<4104x128xf32, #tpu.memory_space<hbm>> -> memref<8x128xf32, #tpu.memory_space<hbm>>
          %dma_start3A_303 = arith.constant 8 : i32
          %dma_start3A_304 = arith.constant 0 : i32
          %dma_start3A_305 = tpu.memref_slice %arg15[%dma_start3A_303, %dma_start3A_304] : memref<32x128xf32, #tpu.memory_space<vmem>> -> memref<8x128xf32, #tpu.memory_space<vmem>>
          %dma_start3A_306 = arith.constant 0 : i32
          %dma_start3A_307 = tpu.memref_slice %arg6[%multiple_of3A_297, %dma_start3A_306] : memref<4104x128xf32, #tpu.memory_space<hbm>> -> memref<8x128xf32, #tpu.memory_space<hbm>>
          tpu.enqueue_dma source(%dma_start3A_307 : memref<8x128xf32, #tpu.memory_space<hbm>>) target(%dma_start3A_305 : memref<8x128xf32, #tpu.memory_space<vmem>>) target_semaphore(%run_scoped3A : memref<!tpu.dma_semaphore, #tpu.memory_space<semaphore_mem>>)
          %dma_wait3A_308 = arith.constant 8 : i32
          %dma_wait3A_309 = arith.constant 0 : i32
          %dma_wait3A_310 = tpu.memref_slice %arg15[%dma_wait3A_308, %dma_wait3A_309] : memref<32x128xf32, #tpu.memory_space<vmem>> -> memref<8x128xf32, #tpu.memory_space<vmem>>
          %dma_wait3A_311 = arith.constant 0 : i32
          %dma_wait3A_312 = tpu.memref_slice %arg6[%multiple_of3A_297, %dma_wait3A_311] : memref<4104x128xf32, #tpu.memory_space<hbm>> -> memref<8x128xf32, #tpu.memory_space<hbm>>
          %dma_wait3A_313 = arith.constant 8 : i32
          %dma_wait3A_314 = arith.constant 0 : i32
          %dma_wait3A_315 = tpu.memref_slice %arg15[%dma_wait3A_313, %dma_wait3A_314] : memref<32x128xf32, #tpu.memory_space<vmem>> -> memref<8x128xf32, #tpu.memory_space<vmem>>
          %dma_wait3A_316 = arith.constant 0 : i32
          %dma_wait3A_317 = tpu.memref_slice %arg6[%multiple_of3A_297, %dma_wait3A_316] : memref<4104x128xf32, #tpu.memory_space<hbm>> -> memref<8x128xf32, #tpu.memory_space<hbm>>
          tpu.wait_dma2 semaphore(%run_scoped3A : memref<!tpu.dma_semaphore, #tpu.memory_space<semaphore_mem>>) src(%dma_wait3A_317 : memref<8x128xf32, #tpu.memory_space<hbm>>) dst(%dma_wait3A_315 : memref<8x128xf32, #tpu.memory_space<vmem>>)
          tpu.yield
        }) : () -> ()
      } else {
      }
      %add3A_250 = arith.constant 16 : i32
      %add3A_251 = arith.addi %select_n3A_217, %add3A_250 : i32
      %ge3A_252 = arith.constant 65536 : i32
      %ge3A_253 = arith.cmpi sge, %add3A_251, %ge3A_252 : i32
      %sub3A_254 = arith.constant 65536 : i32
      %sub3A_255 = arith.subi %add3A_251, %sub3A_254 : i32
      %select_n3A_256 = arith.select %ge3A_253, %sub3A_255, %add3A_251 : i32
      %not3A_257 = arith.constant true
      %not3A_258 = arith.xori %le3A_219, %not3A_257 : i1
      %lt3A_259 = arith.constant 4104 : i32
      %lt3A_260 = arith.cmpi slt, %select_n3A_256, %lt3A_259 : i32
      %and3A_261 = arith.andi %not3A_258, %lt3A_260 : i1
      %convert_element_type3A_262 = arith.extui %and3A_261 : i1 to i32
      %cond3A_263 = arith.constant 0 : i32
      %cond3A_264 = arith.cmpi ne, %convert_element_type3A_262, %cond3A_263 : i32
      scf.if %cond3A_264 {
        %multiple_of3A_297 = tpu.assume_multiple %select_n3A_256, 8 : i32
        "tpu.region"() ({
          %run_scoped3A = tpu.sem_alloc : memref<!tpu.dma_semaphore, #tpu.memory_space<semaphore_mem>>
          %dma_start3A_298 = arith.constant 16 : i32
          %dma_start3A_299 = arith.constant 0 : i32
          %dma_start3A_300 = tpu.memref_slice %arg13[%dma_start3A_298, %dma_start3A_299] : memref<32x512xf32, #tpu.memory_space<vmem>> -> memref<8x512xf32, #tpu.memory_space<vmem>>
          %dma_start3A_301 = arith.constant 0 : i32
          %dma_start3A_302 = tpu.memref_slice %arg4[%multiple_of3A_297, %dma_start3A_301] : memref<4104x512xf32, #tpu.memory_space<hbm>> -> memref<8x512xf32, #tpu.memory_space<hbm>>
          %dma_start3A_303 = arith.constant 16 : i32
          %dma_start3A_304 = arith.constant 0 : i32
          %dma_start3A_305 = tpu.memref_slice %arg13[%dma_start3A_303, %dma_start3A_304] : memref<32x512xf32, #tpu.memory_space<vmem>> -> memref<8x512xf32, #tpu.memory_space<vmem>>
          %dma_start3A_306 = arith.constant 0 : i32
          %dma_start3A_307 = tpu.memref_slice %arg4[%multiple_of3A_297, %dma_start3A_306] : memref<4104x512xf32, #tpu.memory_space<hbm>> -> memref<8x512xf32, #tpu.memory_space<hbm>>
          tpu.enqueue_dma source(%dma_start3A_307 : memref<8x512xf32, #tpu.memory_space<hbm>>) target(%dma_start3A_305 : memref<8x512xf32, #tpu.memory_space<vmem>>) target_semaphore(%run_scoped3A : memref<!tpu.dma_semaphore, #tpu.memory_space<semaphore_mem>>)
          %dma_wait3A_308 = arith.constant 16 : i32
          %dma_wait3A_309 = arith.constant 0 : i32
          %dma_wait3A_310 = tpu.memref_slice %arg13[%dma_wait3A_308, %dma_wait3A_309] : memref<32x512xf32, #tpu.memory_space<vmem>> -> memref<8x512xf32, #tpu.memory_space<vmem>>
          %dma_wait3A_311 = arith.constant 0 : i32
          %dma_wait3A_312 = tpu.memref_slice %arg4[%multiple_of3A_297, %dma_wait3A_311] : memref<4104x512xf32, #tpu.memory_space<hbm>> -> memref<8x512xf32, #tpu.memory_space<hbm>>
          %dma_wait3A_313 = arith.constant 16 : i32
          %dma_wait3A_314 = arith.constant 0 : i32
          %dma_wait3A_315 = tpu.memref_slice %arg13[%dma_wait3A_313, %dma_wait3A_314] : memref<32x512xf32, #tpu.memory_space<vmem>> -> memref<8x512xf32, #tpu.memory_space<vmem>>
          %dma_wait3A_316 = arith.constant 0 : i32
          %dma_wait3A_317 = tpu.memref_slice %arg4[%multiple_of3A_297, %dma_wait3A_316] : memref<4104x512xf32, #tpu.memory_space<hbm>> -> memref<8x512xf32, #tpu.memory_space<hbm>>
          tpu.wait_dma2 semaphore(%run_scoped3A : memref<!tpu.dma_semaphore, #tpu.memory_space<semaphore_mem>>) src(%dma_wait3A_317 : memref<8x512xf32, #tpu.memory_space<hbm>>) dst(%dma_wait3A_315 : memref<8x512xf32, #tpu.memory_space<vmem>>)
          tpu.yield
        }) : () -> ()
        "tpu.region"() ({
          %run_scoped3A = tpu.sem_alloc : memref<!tpu.dma_semaphore, #tpu.memory_space<semaphore_mem>>
          %dma_start3A_298 = arith.constant 16 : i32
          %dma_start3A_299 = arith.constant 0 : i32
          %dma_start3A_300 = tpu.memref_slice %arg14[%dma_start3A_298, %dma_start3A_299] : memref<32x512xf32, #tpu.memory_space<vmem>> -> memref<8x512xf32, #tpu.memory_space<vmem>>
          %dma_start3A_301 = arith.constant 0 : i32
          %dma_start3A_302 = tpu.memref_slice %arg5[%multiple_of3A_297, %dma_start3A_301] : memref<4104x512xf32, #tpu.memory_space<hbm>> -> memref<8x512xf32, #tpu.memory_space<hbm>>
          %dma_start3A_303 = arith.constant 16 : i32
          %dma_start3A_304 = arith.constant 0 : i32
          %dma_start3A_305 = tpu.memref_slice %arg14[%dma_start3A_303, %dma_start3A_304] : memref<32x512xf32, #tpu.memory_space<vmem>> -> memref<8x512xf32, #tpu.memory_space<vmem>>
          %dma_start3A_306 = arith.constant 0 : i32
          %dma_start3A_307 = tpu.memref_slice %arg5[%multiple_of3A_297, %dma_start3A_306] : memref<4104x512xf32, #tpu.memory_space<hbm>> -> memref<8x512xf32, #tpu.memory_space<hbm>>
          tpu.enqueue_dma source(%dma_start3A_307 : memref<8x512xf32, #tpu.memory_space<hbm>>) target(%dma_start3A_305 : memref<8x512xf32, #tpu.memory_space<vmem>>) target_semaphore(%run_scoped3A : memref<!tpu.dma_semaphore, #tpu.memory_space<semaphore_mem>>)
          %dma_wait3A_308 = arith.constant 16 : i32
          %dma_wait3A_309 = arith.constant 0 : i32
          %dma_wait3A_310 = tpu.memref_slice %arg14[%dma_wait3A_308, %dma_wait3A_309] : memref<32x512xf32, #tpu.memory_space<vmem>> -> memref<8x512xf32, #tpu.memory_space<vmem>>
          %dma_wait3A_311 = arith.constant 0 : i32
          %dma_wait3A_312 = tpu.memref_slice %arg5[%multiple_of3A_297, %dma_wait3A_311] : memref<4104x512xf32, #tpu.memory_space<hbm>> -> memref<8x512xf32, #tpu.memory_space<hbm>>
          %dma_wait3A_313 = arith.constant 16 : i32
          %dma_wait3A_314 = arith.constant 0 : i32
          %dma_wait3A_315 = tpu.memref_slice %arg14[%dma_wait3A_313, %dma_wait3A_314] : memref<32x512xf32, #tpu.memory_space<vmem>> -> memref<8x512xf32, #tpu.memory_space<vmem>>
          %dma_wait3A_316 = arith.constant 0 : i32
          %dma_wait3A_317 = tpu.memref_slice %arg5[%multiple_of3A_297, %dma_wait3A_316] : memref<4104x512xf32, #tpu.memory_space<hbm>> -> memref<8x512xf32, #tpu.memory_space<hbm>>
          tpu.wait_dma2 semaphore(%run_scoped3A : memref<!tpu.dma_semaphore, #tpu.memory_space<semaphore_mem>>) src(%dma_wait3A_317 : memref<8x512xf32, #tpu.memory_space<hbm>>) dst(%dma_wait3A_315 : memref<8x512xf32, #tpu.memory_space<vmem>>)
          tpu.yield
        }) : () -> ()
        "tpu.region"() ({
          %run_scoped3A = tpu.sem_alloc : memref<!tpu.dma_semaphore, #tpu.memory_space<semaphore_mem>>
          %dma_start3A_298 = arith.constant 16 : i32
          %dma_start3A_299 = arith.constant 0 : i32
          %dma_start3A_300 = tpu.memref_slice %arg15[%dma_start3A_298, %dma_start3A_299] : memref<32x128xf32, #tpu.memory_space<vmem>> -> memref<8x128xf32, #tpu.memory_space<vmem>>
          %dma_start3A_301 = arith.constant 0 : i32
          %dma_start3A_302 = tpu.memref_slice %arg6[%multiple_of3A_297, %dma_start3A_301] : memref<4104x128xf32, #tpu.memory_space<hbm>> -> memref<8x128xf32, #tpu.memory_space<hbm>>
          %dma_start3A_303 = arith.constant 16 : i32
          %dma_start3A_304 = arith.constant 0 : i32
          %dma_start3A_305 = tpu.memref_slice %arg15[%dma_start3A_303, %dma_start3A_304] : memref<32x128xf32, #tpu.memory_space<vmem>> -> memref<8x128xf32, #tpu.memory_space<vmem>>
          %dma_start3A_306 = arith.constant 0 : i32
          %dma_start3A_307 = tpu.memref_slice %arg6[%multiple_of3A_297, %dma_start3A_306] : memref<4104x128xf32, #tpu.memory_space<hbm>> -> memref<8x128xf32, #tpu.memory_space<hbm>>
          tpu.enqueue_dma source(%dma_start3A_307 : memref<8x128xf32, #tpu.memory_space<hbm>>) target(%dma_start3A_305 : memref<8x128xf32, #tpu.memory_space<vmem>>) target_semaphore(%run_scoped3A : memref<!tpu.dma_semaphore, #tpu.memory_space<semaphore_mem>>)
          %dma_wait3A_308 = arith.constant 16 : i32
          %dma_wait3A_309 = arith.constant 0 : i32
          %dma_wait3A_310 = tpu.memref_slice %arg15[%dma_wait3A_308, %dma_wait3A_309] : memref<32x128xf32, #tpu.memory_space<vmem>> -> memref<8x128xf32, #tpu.memory_space<vmem>>
          %dma_wait3A_311 = arith.constant 0 : i32
          %dma_wait3A_312 = tpu.memref_slice %arg6[%multiple_of3A_297, %dma_wait3A_311] : memref<4104x128xf32, #tpu.memory_space<hbm>> -> memref<8x128xf32, #tpu.memory_space<hbm>>
          %dma_wait3A_313 = arith.constant 16 : i32
          %dma_wait3A_314 = arith.constant 0 : i32
          %dma_wait3A_315 = tpu.memref_slice %arg15[%dma_wait3A_313, %dma_wait3A_314] : memref<32x128xf32, #tpu.memory_space<vmem>> -> memref<8x128xf32, #tpu.memory_space<vmem>>
          %dma_wait3A_316 = arith.constant 0 : i32
          %dma_wait3A_317 = tpu.memref_slice %arg6[%multiple_of3A_297, %dma_wait3A_316] : memref<4104x128xf32, #tpu.memory_space<hbm>> -> memref<8x128xf32, #tpu.memory_space<hbm>>
          tpu.wait_dma2 semaphore(%run_scoped3A : memref<!tpu.dma_semaphore, #tpu.memory_space<semaphore_mem>>) src(%dma_wait3A_317 : memref<8x128xf32, #tpu.memory_space<hbm>>) dst(%dma_wait3A_315 : memref<8x128xf32, #tpu.memory_space<vmem>>)
          tpu.yield
        }) : () -> ()
      } else {
      }
      %add3A_265 = arith.constant 24 : i32
      %add3A_266 = arith.addi %select_n3A_217, %add3A_265 : i32
      %ge3A_267 = arith.constant 65536 : i32
      %ge3A_268 = arith.cmpi sge, %add3A_266, %ge3A_267 : i32
      %sub3A_269 = arith.constant 65536 : i32
      %sub3A_270 = arith.subi %add3A_266, %sub3A_269 : i32
      %select_n3A_271 = arith.select %ge3A_268, %sub3A_270, %add3A_266 : i32
      %not3A_272 = arith.constant true
      %not3A_273 = arith.xori %le3A_219, %not3A_272 : i1
      %lt3A_274 = arith.constant 4104 : i32
      %lt3A_275 = arith.cmpi slt, %select_n3A_271, %lt3A_274 : i32
      %and3A_276 = arith.andi %not3A_273, %lt3A_275 : i1
      %convert_element_type3A_277 = arith.extui %and3A_276 : i1 to i32
      %cond3A_278 = arith.constant 0 : i32
      %cond3A_279 = arith.cmpi ne, %convert_element_type3A_277, %cond3A_278 : i32
      scf.if %cond3A_279 {
        %multiple_of3A_297 = tpu.assume_multiple %select_n3A_271, 8 : i32
        "tpu.region"() ({
          %run_scoped3A = tpu.sem_alloc : memref<!tpu.dma_semaphore, #tpu.memory_space<semaphore_mem>>
          %dma_start3A_298 = arith.constant 24 : i32
          %dma_start3A_299 = arith.constant 0 : i32
          %dma_start3A_300 = tpu.memref_slice %arg13[%dma_start3A_298, %dma_start3A_299] : memref<32x512xf32, #tpu.memory_space<vmem>> -> memref<8x512xf32, #tpu.memory_space<vmem>>
          %dma_start3A_301 = arith.constant 0 : i32
          %dma_start3A_302 = tpu.memref_slice %arg4[%multiple_of3A_297, %dma_start3A_301] : memref<4104x512xf32, #tpu.memory_space<hbm>> -> memref<8x512xf32, #tpu.memory_space<hbm>>
          %dma_start3A_303 = arith.constant 24 : i32
          %dma_start3A_304 = arith.constant 0 : i32
          %dma_start3A_305 = tpu.memref_slice %arg13[%dma_start3A_303, %dma_start3A_304] : memref<32x512xf32, #tpu.memory_space<vmem>> -> memref<8x512xf32, #tpu.memory_space<vmem>>
          %dma_start3A_306 = arith.constant 0 : i32
          %dma_start3A_307 = tpu.memref_slice %arg4[%multiple_of3A_297, %dma_start3A_306] : memref<4104x512xf32, #tpu.memory_space<hbm>> -> memref<8x512xf32, #tpu.memory_space<hbm>>
          tpu.enqueue_dma source(%dma_start3A_307 : memref<8x512xf32, #tpu.memory_space<hbm>>) target(%dma_start3A_305 : memref<8x512xf32, #tpu.memory_space<vmem>>) target_semaphore(%run_scoped3A : memref<!tpu.dma_semaphore, #tpu.memory_space<semaphore_mem>>)
          %dma_wait3A_308 = arith.constant 24 : i32
          %dma_wait3A_309 = arith.constant 0 : i32
          %dma_wait3A_310 = tpu.memref_slice %arg13[%dma_wait3A_308, %dma_wait3A_309] : memref<32x512xf32, #tpu.memory_space<vmem>> -> memref<8x512xf32, #tpu.memory_space<vmem>>
          %dma_wait3A_311 = arith.constant 0 : i32
          %dma_wait3A_312 = tpu.memref_slice %arg4[%multiple_of3A_297, %dma_wait3A_311] : memref<4104x512xf32, #tpu.memory_space<hbm>> -> memref<8x512xf32, #tpu.memory_space<hbm>>
          %dma_wait3A_313 = arith.constant 24 : i32
          %dma_wait3A_314 = arith.constant 0 : i32
          %dma_wait3A_315 = tpu.memref_slice %arg13[%dma_wait3A_313, %dma_wait3A_314] : memref<32x512xf32, #tpu.memory_space<vmem>> -> memref<8x512xf32, #tpu.memory_space<vmem>>
          %dma_wait3A_316 = arith.constant 0 : i32
          %dma_wait3A_317 = tpu.memref_slice %arg4[%multiple_of3A_297, %dma_wait3A_316] : memref<4104x512xf32, #tpu.memory_space<hbm>> -> memref<8x512xf32, #tpu.memory_space<hbm>>
          tpu.wait_dma2 semaphore(%run_scoped3A : memref<!tpu.dma_semaphore, #tpu.memory_space<semaphore_mem>>) src(%dma_wait3A_317 : memref<8x512xf32, #tpu.memory_space<hbm>>) dst(%dma_wait3A_315 : memref<8x512xf32, #tpu.memory_space<vmem>>)
          tpu.yield
        }) : () -> ()
        "tpu.region"() ({
          %run_scoped3A = tpu.sem_alloc : memref<!tpu.dma_semaphore, #tpu.memory_space<semaphore_mem>>
          %dma_start3A_298 = arith.constant 24 : i32
          %dma_start3A_299 = arith.constant 0 : i32
          %dma_start3A_300 = tpu.memref_slice %arg14[%dma_start3A_298, %dma_start3A_299] : memref<32x512xf32, #tpu.memory_space<vmem>> -> memref<8x512xf32, #tpu.memory_space<vmem>>
          %dma_start3A_301 = arith.constant 0 : i32
          %dma_start3A_302 = tpu.memref_slice %arg5[%multiple_of3A_297, %dma_start3A_301] : memref<4104x512xf32, #tpu.memory_space<hbm>> -> memref<8x512xf32, #tpu.memory_space<hbm>>
          %dma_start3A_303 = arith.constant 24 : i32
          %dma_start3A_304 = arith.constant 0 : i32
          %dma_start3A_305 = tpu.memref_slice %arg14[%dma_start3A_303, %dma_start3A_304] : memref<32x512xf32, #tpu.memory_space<vmem>> -> memref<8x512xf32, #tpu.memory_space<vmem>>
          %dma_start3A_306 = arith.constant 0 : i32
          %dma_start3A_307 = tpu.memref_slice %arg5[%multiple_of3A_297, %dma_start3A_306] : memref<4104x512xf32, #tpu.memory_space<hbm>> -> memref<8x512xf32, #tpu.memory_space<hbm>>
          tpu.enqueue_dma source(%dma_start3A_307 : memref<8x512xf32, #tpu.memory_space<hbm>>) target(%dma_start3A_305 : memref<8x512xf32, #tpu.memory_space<vmem>>) target_semaphore(%run_scoped3A : memref<!tpu.dma_semaphore, #tpu.memory_space<semaphore_mem>>)
          %dma_wait3A_308 = arith.constant 24 : i32
          %dma_wait3A_309 = arith.constant 0 : i32
          %dma_wait3A_310 = tpu.memref_slice %arg14[%dma_wait3A_308, %dma_wait3A_309] : memref<32x512xf32, #tpu.memory_space<vmem>> -> memref<8x512xf32, #tpu.memory_space<vmem>>
          %dma_wait3A_311 = arith.constant 0 : i32
          %dma_wait3A_312 = tpu.memref_slice %arg5[%multiple_of3A_297, %dma_wait3A_311] : memref<4104x512xf32, #tpu.memory_space<hbm>> -> memref<8x512xf32, #tpu.memory_space<hbm>>
          %dma_wait3A_313 = arith.constant 24 : i32
          %dma_wait3A_314 = arith.constant 0 : i32
          %dma_wait3A_315 = tpu.memref_slice %arg14[%dma_wait3A_313, %dma_wait3A_314] : memref<32x512xf32, #tpu.memory_space<vmem>> -> memref<8x512xf32, #tpu.memory_space<vmem>>
          %dma_wait3A_316 = arith.constant 0 : i32
          %dma_wait3A_317 = tpu.memref_slice %arg5[%multiple_of3A_297, %dma_wait3A_316] : memref<4104x512xf32, #tpu.memory_space<hbm>> -> memref<8x512xf32, #tpu.memory_space<hbm>>
          tpu.wait_dma2 semaphore(%run_scoped3A : memref<!tpu.dma_semaphore, #tpu.memory_space<semaphore_mem>>) src(%dma_wait3A_317 : memref<8x512xf32, #tpu.memory_space<hbm>>) dst(%dma_wait3A_315 : memref<8x512xf32, #tpu.memory_space<vmem>>)
          tpu.yield
        }) : () -> ()
        "tpu.region"() ({
          %run_scoped3A = tpu.sem_alloc : memref<!tpu.dma_semaphore, #tpu.memory_space<semaphore_mem>>
          %dma_start3A_298 = arith.constant 24 : i32
          %dma_start3A_299 = arith.constant 0 : i32
          %dma_start3A_300 = tpu.memref_slice %arg15[%dma_start3A_298, %dma_start3A_299] : memref<32x128xf32, #tpu.memory_space<vmem>> -> memref<8x128xf32, #tpu.memory_space<vmem>>
          %dma_start3A_301 = arith.constant 0 : i32
          %dma_start3A_302 = tpu.memref_slice %arg6[%multiple_of3A_297, %dma_start3A_301] : memref<4104x128xf32, #tpu.memory_space<hbm>> -> memref<8x128xf32, #tpu.memory_space<hbm>>
          %dma_start3A_303 = arith.constant 24 : i32
          %dma_start3A_304 = arith.constant 0 : i32
          %dma_start3A_305 = tpu.memref_slice %arg15[%dma_start3A_303, %dma_start3A_304] : memref<32x128xf32, #tpu.memory_space<vmem>> -> memref<8x128xf32, #tpu.memory_space<vmem>>
          %dma_start3A_306 = arith.constant 0 : i32
          %dma_start3A_307 = tpu.memref_slice %arg6[%multiple_of3A_297, %dma_start3A_306] : memref<4104x128xf32, #tpu.memory_space<hbm>> -> memref<8x128xf32, #tpu.memory_space<hbm>>
          tpu.enqueue_dma source(%dma_start3A_307 : memref<8x128xf32, #tpu.memory_space<hbm>>) target(%dma_start3A_305 : memref<8x128xf32, #tpu.memory_space<vmem>>) target_semaphore(%run_scoped3A : memref<!tpu.dma_semaphore, #tpu.memory_space<semaphore_mem>>)
          %dma_wait3A_308 = arith.constant 24 : i32
          %dma_wait3A_309 = arith.constant 0 : i32
          %dma_wait3A_310 = tpu.memref_slice %arg15[%dma_wait3A_308, %dma_wait3A_309] : memref<32x128xf32, #tpu.memory_space<vmem>> -> memref<8x128xf32, #tpu.memory_space<vmem>>
          %dma_wait3A_311 = arith.constant 0 : i32
          %dma_wait3A_312 = tpu.memref_slice %arg6[%multiple_of3A_297, %dma_wait3A_311] : memref<4104x128xf32, #tpu.memory_space<hbm>> -> memref<8x128xf32, #tpu.memory_space<hbm>>
          %dma_wait3A_313 = arith.constant 24 : i32
          %dma_wait3A_314 = arith.constant 0 : i32
          %dma_wait3A_315 = tpu.memref_slice %arg15[%dma_wait3A_313, %dma_wait3A_314] : memref<32x128xf32, #tpu.memory_space<vmem>> -> memref<8x128xf32, #tpu.memory_space<vmem>>
          %dma_wait3A_316 = arith.constant 0 : i32
          %dma_wait3A_317 = tpu.memref_slice %arg6[%multiple_of3A_297, %dma_wait3A_316] : memref<4104x128xf32, #tpu.memory_space<hbm>> -> memref<8x128xf32, #tpu.memory_space<hbm>>
          tpu.wait_dma2 semaphore(%run_scoped3A : memref<!tpu.dma_semaphore, #tpu.memory_space<semaphore_mem>>) src(%dma_wait3A_317 : memref<8x128xf32, #tpu.memory_space<hbm>>) dst(%dma_wait3A_315 : memref<8x128xf32, #tpu.memory_space<vmem>>)
          tpu.yield
        }) : () -> ()
      } else {
      }
      %dma_start3A_280 = arith.constant 0 : i32
      %dma_start3A_281 = tpu.memref_slice %arg8[%multiple_of3A_68, %dma_start3A_280] : memref<65536x1026xf32, #tpu.memory_space<hbm>> -> memref<32x512xf32, #tpu.memory_space<hbm>>
      %dma_start3A_282 = arith.constant 0 : i32
      %dma_start3A_283 = tpu.memref_slice %arg8[%multiple_of3A_68, %dma_start3A_282] : memref<65536x1026xf32, #tpu.memory_space<hbm>> -> memref<32x512xf32, #tpu.memory_space<hbm>>
      tpu.enqueue_dma source(%arg13 : memref<32x512xf32, #tpu.memory_space<vmem>>) target(%dma_start3A_283 : memref<32x512xf32, #tpu.memory_space<hbm>>) target_semaphore(%arg20 : memref<!tpu.dma_semaphore, #tpu.memory_space<semaphore_mem>>)
      %dma_start3A_284 = arith.constant 512 : i32
      %dma_start3A_285 = tpu.memref_slice %arg8[%multiple_of3A_68, %dma_start3A_284] : memref<65536x1026xf32, #tpu.memory_space<hbm>> -> memref<32x512xf32, #tpu.memory_space<hbm>>
      %dma_start3A_286 = arith.constant 512 : i32
      %dma_start3A_287 = tpu.memref_slice %arg8[%multiple_of3A_68, %dma_start3A_286] : memref<65536x1026xf32, #tpu.memory_space<hbm>> -> memref<32x512xf32, #tpu.memory_space<hbm>>
      tpu.enqueue_dma source(%arg14 : memref<32x512xf32, #tpu.memory_space<vmem>>) target(%dma_start3A_287 : memref<32x512xf32, #tpu.memory_space<hbm>>) target_semaphore(%arg20 : memref<!tpu.dma_semaphore, #tpu.memory_space<semaphore_mem>>)
      %dma_start3A_288 = arith.constant 0 : i32
      %dma_start3A_289 = tpu.memref_slice %arg9[%multiple_of3A_68, %dma_start3A_288] : memref<65536x128xf32, #tpu.memory_space<hbm>> -> memref<32x128xf32, #tpu.memory_space<hbm>>
      %dma_start3A_290 = arith.constant 0 : i32
      %dma_start3A_291 = tpu.memref_slice %arg9[%multiple_of3A_68, %dma_start3A_290] : memref<65536x128xf32, #tpu.memory_space<hbm>> -> memref<32x128xf32, #tpu.memory_space<hbm>>
      tpu.enqueue_dma source(%arg15 : memref<32x128xf32, #tpu.memory_space<vmem>>) target(%dma_start3A_291 : memref<32x128xf32, #tpu.memory_space<hbm>>) target_semaphore(%arg20 : memref<!tpu.dma_semaphore, #tpu.memory_space<semaphore_mem>>)
      %lt3A_292 = arith.constant 31 : i32
      %lt3A_293 = arith.cmpi slt, %scan3A_54, %lt3A_292 : i32
      %convert_element_type3A_294 = arith.extui %lt3A_293 : i1 to i32
      %cond3A_295 = arith.constant 0 : i32
      %cond3A_296 = arith.cmpi ne, %convert_element_type3A_294, %cond3A_295 : i32
      scf.if %cond3A_296 {
        %dma_wait3A_297 = arith.constant 0 : i32
        %dma_wait3A_298 = arith.constant 0 : i32
        %dma_wait3A_299 = tpu.memref_slice %arg8[%dma_wait3A_297, %dma_wait3A_298] : memref<65536x1026xf32, #tpu.memory_space<hbm>> -> memref<32x512xf32, #tpu.memory_space<hbm>>
        %dma_wait3A_300 = arith.constant 0 : i32
        %dma_wait3A_301 = arith.constant 0 : i32
        %dma_wait3A_302 = tpu.memref_slice %arg8[%dma_wait3A_300, %dma_wait3A_301] : memref<65536x1026xf32, #tpu.memory_space<hbm>> -> memref<32x512xf32, #tpu.memory_space<hbm>>
        tpu.wait_dma2 semaphore(%arg19 : memref<!tpu.dma_semaphore, #tpu.memory_space<semaphore_mem>>) src(%arg10 : memref<32x512xf32, #tpu.memory_space<vmem>>) dst(%dma_wait3A_302 : memref<32x512xf32, #tpu.memory_space<hbm>>)
        %dma_wait3A_303 = arith.constant 0 : i32
        %dma_wait3A_304 = arith.constant 512 : i32
        %dma_wait3A_305 = tpu.memref_slice %arg8[%dma_wait3A_303, %dma_wait3A_304] : memref<65536x1026xf32, #tpu.memory_space<hbm>> -> memref<32x512xf32, #tpu.memory_space<hbm>>
        %dma_wait3A_306 = arith.constant 0 : i32
        %dma_wait3A_307 = arith.constant 512 : i32
        %dma_wait3A_308 = tpu.memref_slice %arg8[%dma_wait3A_306, %dma_wait3A_307] : memref<65536x1026xf32, #tpu.memory_space<hbm>> -> memref<32x512xf32, #tpu.memory_space<hbm>>
        tpu.wait_dma2 semaphore(%arg19 : memref<!tpu.dma_semaphore, #tpu.memory_space<semaphore_mem>>) src(%arg11 : memref<32x512xf32, #tpu.memory_space<vmem>>) dst(%dma_wait3A_308 : memref<32x512xf32, #tpu.memory_space<hbm>>)
        %dma_wait3A_309 = arith.constant 0 : i32
        %dma_wait3A_310 = arith.constant 0 : i32
        %dma_wait3A_311 = tpu.memref_slice %arg9[%dma_wait3A_309, %dma_wait3A_310] : memref<65536x128xf32, #tpu.memory_space<hbm>> -> memref<32x128xf32, #tpu.memory_space<hbm>>
        %dma_wait3A_312 = arith.constant 0 : i32
        %dma_wait3A_313 = arith.constant 0 : i32
        %dma_wait3A_314 = tpu.memref_slice %arg9[%dma_wait3A_312, %dma_wait3A_313] : memref<65536x128xf32, #tpu.memory_space<hbm>> -> memref<32x128xf32, #tpu.memory_space<hbm>>
        tpu.wait_dma2 semaphore(%arg19 : memref<!tpu.dma_semaphore, #tpu.memory_space<semaphore_mem>>) src(%arg12 : memref<32x128xf32, #tpu.memory_space<vmem>>) dst(%dma_wait3A_314 : memref<32x128xf32, #tpu.memory_space<hbm>>)
        %mul3A_315 = arith.constant 2 : i32
        %mul3A_316 = arith.muli %mul3A_315, %scan3A_54 : i32
        %add3A_317 = arith.constant 2 : i32
        %add3A_318 = arith.addi %mul3A_316, %add3A_317 : i32
        %mul3A_319 = arith.constant 32 : i32
        %mul3A_320 = arith.muli %add3A_318, %mul3A_319 : i32
        %add3A_321 = arith.addi %multiple_of3A, %mul3A_320 : i32
        %multiple_of3A_322 = tpu.assume_multiple %add3A_321, 32 : i32
        %sub3A_323 = arith.subi %multiple_of3A_322, %squeeze3A : i32
        %lt3A_324 = arith.constant 0 : i32
        %lt3A_325 = arith.cmpi slt, %sub3A_323, %lt3A_324 : i32
        %add3A_326 = arith.constant 65536 : i32
        %add3A_327 = arith.addi %sub3A_323, %add3A_326 : i32
        %select_n3A_328 = arith.select %lt3A_325, %add3A_327, %sub3A_323 : i32
        %le3A_329 = arith.constant 4072 : i32
        %le3A_330 = arith.cmpi sle, %select_n3A_328, %le3A_329 : i32
        %convert_element_type3A_331 = arith.extui %le3A_330 : i1 to i32
        %cond3A_332 = arith.constant 0 : i32
        %cond3A_333 = arith.cmpi ne, %convert_element_type3A_331, %cond3A_332 : i32
        scf.if %cond3A_333 {
          %multiple_of3A_339 = tpu.assume_multiple %select_n3A_328, 8 : i32
          %dma_start3A_340 = arith.constant 0 : i32
          %dma_start3A_341 = tpu.memref_slice %arg4[%multiple_of3A_339, %dma_start3A_340] : memref<4104x512xf32, #tpu.memory_space<hbm>> -> memref<32x512xf32, #tpu.memory_space<hbm>>
          %dma_start3A_342 = arith.constant 0 : i32
          %dma_start3A_343 = tpu.memref_slice %arg4[%multiple_of3A_339, %dma_start3A_342] : memref<4104x512xf32, #tpu.memory_space<hbm>> -> memref<32x512xf32, #tpu.memory_space<hbm>>
          tpu.enqueue_dma source(%dma_start3A_343 : memref<32x512xf32, #tpu.memory_space<hbm>>) target(%arg10 : memref<32x512xf32, #tpu.memory_space<vmem>>) target_semaphore(%arg17 : memref<!tpu.dma_semaphore, #tpu.memory_space<semaphore_mem>>)
          %dma_start3A_344 = arith.constant 0 : i32
          %dma_start3A_345 = tpu.memref_slice %arg5[%multiple_of3A_339, %dma_start3A_344] : memref<4104x512xf32, #tpu.memory_space<hbm>> -> memref<32x512xf32, #tpu.memory_space<hbm>>
          %dma_start3A_346 = arith.constant 0 : i32
          %dma_start3A_347 = tpu.memref_slice %arg5[%multiple_of3A_339, %dma_start3A_346] : memref<4104x512xf32, #tpu.memory_space<hbm>> -> memref<32x512xf32, #tpu.memory_space<hbm>>
          tpu.enqueue_dma source(%dma_start3A_347 : memref<32x512xf32, #tpu.memory_space<hbm>>) target(%arg11 : memref<32x512xf32, #tpu.memory_space<vmem>>) target_semaphore(%arg17 : memref<!tpu.dma_semaphore, #tpu.memory_space<semaphore_mem>>)
          %dma_start3A_348 = arith.constant 0 : i32
          %dma_start3A_349 = tpu.memref_slice %arg6[%multiple_of3A_339, %dma_start3A_348] : memref<4104x128xf32, #tpu.memory_space<hbm>> -> memref<32x128xf32, #tpu.memory_space<hbm>>
          %dma_start3A_350 = arith.constant 0 : i32
          %dma_start3A_351 = tpu.memref_slice %arg6[%multiple_of3A_339, %dma_start3A_350] : memref<4104x128xf32, #tpu.memory_space<hbm>> -> memref<32x128xf32, #tpu.memory_space<hbm>>
          tpu.enqueue_dma source(%dma_start3A_351 : memref<32x128xf32, #tpu.memory_space<hbm>>) target(%arg12 : memref<32x128xf32, #tpu.memory_space<vmem>>) target_semaphore(%arg17 : memref<!tpu.dma_semaphore, #tpu.memory_space<semaphore_mem>>)
        } else {
        }
        %not3A_334 = arith.constant true
        %not3A_335 = arith.xori %le3A_330, %not3A_334 : i1
        %convert_element_type3A_336 = arith.extui %not3A_335 : i1 to i32
        %cond3A_337 = arith.constant 0 : i32
        %cond3A_338 = arith.cmpi ne, %convert_element_type3A_336, %cond3A_337 : i32
        scf.if %cond3A_338 {
          %dma_start3A_339 = arith.constant 0 : i32
          %dma_start3A_340 = tpu.memref_slice %arg2[%multiple_of3A_322, %dma_start3A_339] : memref<65536x512xf32, #tpu.memory_space<hbm>> -> memref<32x512xf32, #tpu.memory_space<hbm>>
          %dma_start3A_341 = arith.constant 0 : i32
          %dma_start3A_342 = tpu.memref_slice %arg2[%multiple_of3A_322, %dma_start3A_341] : memref<65536x512xf32, #tpu.memory_space<hbm>> -> memref<32x512xf32, #tpu.memory_space<hbm>>
          tpu.enqueue_dma source(%dma_start3A_342 : memref<32x512xf32, #tpu.memory_space<hbm>>) target(%arg10 : memref<32x512xf32, #tpu.memory_space<vmem>>) target_semaphore(%arg17 : memref<!tpu.dma_semaphore, #tpu.memory_space<semaphore_mem>>)
          %dma_start3A_343 = arith.constant 0 : i32
          %dma_start3A_344 = tpu.memref_slice %arg3[%multiple_of3A_322, %dma_start3A_343] : memref<65536x512xf32, #tpu.memory_space<hbm>> -> memref<32x512xf32, #tpu.memory_space<hbm>>
          %dma_start3A_345 = arith.constant 0 : i32
          %dma_start3A_346 = tpu.memref_slice %arg3[%multiple_of3A_322, %dma_start3A_345] : memref<65536x512xf32, #tpu.memory_space<hbm>> -> memref<32x512xf32, #tpu.memory_space<hbm>>
          tpu.enqueue_dma source(%dma_start3A_346 : memref<32x512xf32, #tpu.memory_space<hbm>>) target(%arg11 : memref<32x512xf32, #tpu.memory_space<vmem>>) target_semaphore(%arg17 : memref<!tpu.dma_semaphore, #tpu.memory_space<semaphore_mem>>)
        } else {
        }
      } else {
      }
    }
    %scan3A_18 = arith.constant 32 : i32
    %dma_wait3A = arith.constant 0 : i32
    %dma_wait3A_19 = arith.constant 0 : i32
    %dma_wait3A_20 = tpu.memref_slice %arg8[%dma_wait3A, %dma_wait3A_19] : memref<65536x1026xf32, #tpu.memory_space<hbm>> -> memref<32x512xf32, #tpu.memory_space<hbm>>
    %dma_wait3A_21 = arith.constant 0 : i32
    %dma_wait3A_22 = arith.constant 0 : i32
    %dma_wait3A_23 = tpu.memref_slice %arg8[%dma_wait3A_21, %dma_wait3A_22] : memref<65536x1026xf32, #tpu.memory_space<hbm>> -> memref<32x512xf32, #tpu.memory_space<hbm>>
    tpu.wait_dma2 semaphore(%arg19 : memref<!tpu.dma_semaphore, #tpu.memory_space<semaphore_mem>>) src(%arg10 : memref<32x512xf32, #tpu.memory_space<vmem>>) dst(%dma_wait3A_23 : memref<32x512xf32, #tpu.memory_space<hbm>>)
    %dma_wait3A_24 = arith.constant 0 : i32
    %dma_wait3A_25 = arith.constant 512 : i32
    %dma_wait3A_26 = tpu.memref_slice %arg8[%dma_wait3A_24, %dma_wait3A_25] : memref<65536x1026xf32, #tpu.memory_space<hbm>> -> memref<32x512xf32, #tpu.memory_space<hbm>>
    %dma_wait3A_27 = arith.constant 0 : i32
    %dma_wait3A_28 = arith.constant 512 : i32
    %dma_wait3A_29 = tpu.memref_slice %arg8[%dma_wait3A_27, %dma_wait3A_28] : memref<65536x1026xf32, #tpu.memory_space<hbm>> -> memref<32x512xf32, #tpu.memory_space<hbm>>
    tpu.wait_dma2 semaphore(%arg19 : memref<!tpu.dma_semaphore, #tpu.memory_space<semaphore_mem>>) src(%arg11 : memref<32x512xf32, #tpu.memory_space<vmem>>) dst(%dma_wait3A_29 : memref<32x512xf32, #tpu.memory_space<hbm>>)
    %dma_wait3A_30 = arith.constant 0 : i32
    %dma_wait3A_31 = arith.constant 0 : i32
    %dma_wait3A_32 = tpu.memref_slice %arg9[%dma_wait3A_30, %dma_wait3A_31] : memref<65536x128xf32, #tpu.memory_space<hbm>> -> memref<32x128xf32, #tpu.memory_space<hbm>>
    %dma_wait3A_33 = arith.constant 0 : i32
    %dma_wait3A_34 = arith.constant 0 : i32
    %dma_wait3A_35 = tpu.memref_slice %arg9[%dma_wait3A_33, %dma_wait3A_34] : memref<65536x128xf32, #tpu.memory_space<hbm>> -> memref<32x128xf32, #tpu.memory_space<hbm>>
    tpu.wait_dma2 semaphore(%arg19 : memref<!tpu.dma_semaphore, #tpu.memory_space<semaphore_mem>>) src(%arg12 : memref<32x128xf32, #tpu.memory_space<vmem>>) dst(%dma_wait3A_35 : memref<32x128xf32, #tpu.memory_space<hbm>>)
    %dma_wait3A_36 = arith.constant 0 : i32
    %dma_wait3A_37 = arith.constant 0 : i32
    %dma_wait3A_38 = tpu.memref_slice %arg8[%dma_wait3A_36, %dma_wait3A_37] : memref<65536x1026xf32, #tpu.memory_space<hbm>> -> memref<32x512xf32, #tpu.memory_space<hbm>>
    %dma_wait3A_39 = arith.constant 0 : i32
    %dma_wait3A_40 = arith.constant 0 : i32
    %dma_wait3A_41 = tpu.memref_slice %arg8[%dma_wait3A_39, %dma_wait3A_40] : memref<65536x1026xf32, #tpu.memory_space<hbm>> -> memref<32x512xf32, #tpu.memory_space<hbm>>
    tpu.wait_dma2 semaphore(%arg20 : memref<!tpu.dma_semaphore, #tpu.memory_space<semaphore_mem>>) src(%arg13 : memref<32x512xf32, #tpu.memory_space<vmem>>) dst(%dma_wait3A_41 : memref<32x512xf32, #tpu.memory_space<hbm>>)
    %dma_wait3A_42 = arith.constant 0 : i32
    %dma_wait3A_43 = arith.constant 512 : i32
    %dma_wait3A_44 = tpu.memref_slice %arg8[%dma_wait3A_42, %dma_wait3A_43] : memref<65536x1026xf32, #tpu.memory_space<hbm>> -> memref<32x512xf32, #tpu.memory_space<hbm>>
    %dma_wait3A_45 = arith.constant 0 : i32
    %dma_wait3A_46 = arith.constant 512 : i32
    %dma_wait3A_47 = tpu.memref_slice %arg8[%dma_wait3A_45, %dma_wait3A_46] : memref<65536x1026xf32, #tpu.memory_space<hbm>> -> memref<32x512xf32, #tpu.memory_space<hbm>>
    tpu.wait_dma2 semaphore(%arg20 : memref<!tpu.dma_semaphore, #tpu.memory_space<semaphore_mem>>) src(%arg14 : memref<32x512xf32, #tpu.memory_space<vmem>>) dst(%dma_wait3A_47 : memref<32x512xf32, #tpu.memory_space<hbm>>)
    %dma_wait3A_48 = arith.constant 0 : i32
    %dma_wait3A_49 = arith.constant 0 : i32
    %dma_wait3A_50 = tpu.memref_slice %arg9[%dma_wait3A_48, %dma_wait3A_49] : memref<65536x128xf32, #tpu.memory_space<hbm>> -> memref<32x128xf32, #tpu.memory_space<hbm>>
    %dma_wait3A_51 = arith.constant 0 : i32
    %dma_wait3A_52 = arith.constant 0 : i32
    %dma_wait3A_53 = tpu.memref_slice %arg9[%dma_wait3A_51, %dma_wait3A_52] : memref<65536x128xf32, #tpu.memory_space<hbm>> -> memref<32x128xf32, #tpu.memory_space<hbm>>
    tpu.wait_dma2 semaphore(%arg20 : memref<!tpu.dma_semaphore, #tpu.memory_space<semaphore_mem>>) src(%arg15 : memref<32x128xf32, #tpu.memory_space<vmem>>) dst(%dma_wait3A_53 : memref<32x128xf32, #tpu.memory_space<hbm>>)
    return
  }
}

module attributes {stable_mosaic.version = 14 : i64} {
  func.func @tc_body(%arg0: i32, %arg1: memref<1xi32, #tpu.memory_space<smem>>, %arg2: memref<65536x1026xf32, #tpu.memory_space<any>>, %arg3: memref<512x128xf32, #tpu.memory_space<vmem>>, %arg4: memref<512x2xf32, #tpu.memory_space<vmem>>, %arg5: memref<512x128xf32, #tpu.memory_space<vmem>>) attributes {dimension_semantics = [#tpu.dimension_semantics<arbitrary>], iteration_bounds = array<i64: 128>, scalar_prefetch = 1 : i64, scratch_operands = 0 : i64, tpu.core_type = #tpu.core_type<tc>, window_params = [{}, {transform_indices = @transform_1, window_bounds = array<i64: 512, 128>}, {transform_indices = @transform_2, window_bounds = array<i64: 512, 2>}, {transform_indices = @transform_3, window_bounds = array<i64: 512, 128>}]} {
    %iota3A = tpu.iota {dimensions = array<i32: 0>} : vector<512x1xi32>
    %mul3A = arith.constant 512 : i32
    %mul3A_0 = arith.muli %arg0, %mul3A : i32
    %add3A = vector.broadcast %mul3A_0 : i32 to vector<512x1xi32>
    %add3A_1 = arith.addi %iota3A, %add3A : vector<512x1xi32>
    %get3A = arith.constant 0 : index
    %get3A_2 = memref.load %arg1[%get3A] : memref<1xi32, #tpu.memory_space<smem>>
    %sub3A = vector.broadcast %get3A_2 : i32 to vector<512x1xi32>
    %sub3A_3 = arith.subi %add3A_1, %sub3A : vector<512x1xi32>
    %lt3A = arith.constant 0 : i32
    %lt3A_4 = vector.broadcast %lt3A : i32 to vector<512x1xi32>
    %lt3A_5 = arith.cmpi slt, %sub3A_3, %lt3A_4 : vector<512x1xi32>
    %add3A_6 = arith.constant 65536 : i32
    %add3A_7 = vector.broadcast %add3A_6 : i32 to vector<512x1xi32>
    %add3A_8 = arith.addi %sub3A_3, %add3A_7 : vector<512x1xi32>
    %select_n3A = arith.select %lt3A_5, %add3A_8, %sub3A_3 : vector<512x1xi1>, vector<512x1xi32>
    %lt3A_9 = arith.constant 4104 : i32
    %lt3A_10 = vector.broadcast %lt3A_9 : i32 to vector<512x1xi32>
    %lt3A_11 = arith.cmpi slt, %select_n3A, %lt3A_10 : vector<512x1xi32>
    %get3A_12 = arith.constant 0 : index
    %get3A_13 = arith.constant 0 : index
    %get3A_14 = vector.load %arg3[%get3A_12, %get3A_13] : memref<512x128xf32, #tpu.memory_space<vmem>>, vector<512x2xf32>
    %get3A_15 = arith.constant 0 : index
    %get3A_16 = arith.constant 0 : index
    %get3A_17 = vector.load %arg4[%get3A_15, %get3A_16] : memref<512x2xf32, #tpu.memory_space<vmem>>, vector<512x2xf32>
    %broadcast_in_dim3A = vector.shape_cast %lt3A_11 : vector<512x1xi1> to vector<512x1xi1>
    %broadcast_in_dim3A_18 = vector.broadcast %broadcast_in_dim3A : vector<512x1xi1> to vector<512x2xi1>
    %select_n3A_19 = arith.select %broadcast_in_dim3A_18, %get3A_14, %get3A_17 : vector<512x2xi1>, vector<512x2xf32>
    %swap3A = arith.constant 0 : index
    %swap3A_20 = arith.constant 0 : index
    %swap3A_21 = vector.load %arg5[%swap3A, %swap3A_20] : memref<512x128xf32, #tpu.memory_space<vmem>>, vector<512x2xf32>
    tpu.vector_store %arg5[%swap3A, %swap3A_20], %select_n3A_19 {strides = array<i32>} : memref<512x128xf32, #tpu.memory_space<vmem>>, vector<512x2xf32>,
    return
  }
  func.func @transform_1(%arg0: i32, %arg1: memref<1xi32, #tpu.memory_space<smem>>) -> (i32, i32) {
    %c0_i32 = arith.constant 0 : i32
    %c0_i32_0 = arith.constant 0 : i32
    return %arg0, %c0_i32 : i32, i32
  }
  func.func @transform_2(%arg0: i32, %arg1: memref<1xi32, #tpu.memory_space<smem>>) -> (i32, i32) {
    %c0_i32 = arith.constant 0 : i32
    %c0_i32_0 = arith.constant 0 : i32
    return %arg0, %c0_i32 : i32, i32
  }
  func.func @transform_3(%arg0: i32, %arg1: memref<1xi32, #tpu.memory_space<smem>>) -> (i32, i32) {
    %c8_i32 = arith.constant 8 : i32
    %c0_i32 = arith.constant 0 : i32
    return %arg0, %c8_i32 : i32, i32
  }
}

</mosaic_0001>

<sc_bundles>
// kernel: kernel.4.cloned.1.call-start
scs
__scs_entry_jumppad:
0x0: {  	(pc) =	sbr.rel $0x88, $3  }
0x1: {  	(tag) =	ssettag $0x0;
	lr =	simm.s32 $0x1  }
0x2: {  	[smem:$0x3F9A] =	sst lr;
	_ =	strace $0xD0000000  }
0x3: {  	_ = 	snop  }
0x4: {  	_ = 	snop  }
0x5: {  	_ = 	snop  }
0x6: {  	_ = 	snop  }
0x7: {  	_ = 	snop  }
__scs_overlays_trampoline_lowered:
0x8: {  	[smem:$0x3FA9] =	sst s0  }
0x9: {  	[smem:$0x3FAA] =	sst s1  }
0xa: {  	[smem:$0x3FAB] =	sst s2  }
0xb: {  	[smem:$0x3FAC] =	sst s3  }
0xc: {  	[smem:$0x3FAD] =	sst s4  }
0xd: {  	[smem:$0x3FAE] =	sst s5  }
0xe: {  	[smem:$0x3FAF] =	sst s6  }
0xf: {  	[smem:$0x3FB0] =	sst s7  }
0x10: {  	[smem:$0x3FB1] =	sst s8  }
0x11: {  	[smem:$0x3FB2] =	sst s9;
	s0 =	simm.s32 @!p0 $0x0  }
0x12: {  	s1 =	sld [smem:$0x3F98];
	s0 =	simm.s32 @p0 $0x1  }
0x13: {  	[smem:$0x3FB3] =	sst s0;
	s0 =	simm.s32 @!p1 $0x0  }
0x14: {  	s2 =	sld [smem:$0x3F97];
	s0 =	simm.s32 @p1 $0x1  }
0x15: {  	[smem:$0x3FB4] =	sst s0;
	s0 =	simm.s32 @!p2 $0x0  }
0x16: {  	s3 =	sld [smem:$0x3FDB];
	s0 =	simm.s32 @p2 $0x1  }
0x17: {  	s4 =	simm.s32 $0x1BF5;
	[smem:$0x3FB6] =	sst s0  }
0x18: {  	s0 =	sld [smem:$0x3F99];
	_ =	swait.ge [sflag:s4], $0x0  }
0x19: {  	s7 =	sld [smem:$0x3F9A]  }
0x1a: {  	s8 =	sadd.s32 $0xFFFFE003, lr  }
0x1b: {  	s9 =	sadd.s32 $0xFFFFFEF7, lr;
	s5 =	simm.s32 $0xFFFFFFFF;
	p2 =	slt.u32 s8, $0xFFFFF086  }
0x1c: {  	p1 =	slt.u32 s9, $0xF7A;
	s5 =	simm.s32 @!p2 $0x0  }
0x1d: {  	s5 =	simm.s32 @p1 $0x1;
	p0 =	seq.s32 s7, s2  }
0x1e: {  	s7 =	smul.u32 @!p0 $0xF7A, s2;
	p2 =	seq.s32 @!p0 s5, $0x0  }
0x1f: {  	s9 =	smul.u32 $0xF7A, s1;
	s8 =	simm.s32 @!p0 $0x1BF5;
	p2 =	por !p2, p0  }
0x20: {  	[sflag:s8] =	ssyncset.s32 @!p0 $0xFFFFF086;
	s6 =	sadd.s32 @!p0 s3, s7;
	s7 =	simm.s32 @!p0 $0x108  }
0x21: {  	s3 =	sadd.s32 s3, s9;
	s6 =	sadd.s32 @!p0 $0x88, s6;
	s7 =	simm.s32 @p2 $0x1082  }
0x22: {  	[simem:s7], [sflag:s8] =	dma.local @!p0 [hbm:s6], $0xF7A  }
0x23: {  	s9 =	sor.u32 $0xD0000000, s2;
	s6 =	simm.s32 $0x108;
	_ =	swait.ge @!p0 [sflag:s8], $0x0  }
0x24: {  	s3 =	sadd.s32 $0x88, s3;
	s6 =	simm.s32 @!p1 $0x1082;
	[sflag:s4] =	ssyncset.s32 $0xFFFFF086  }
0x25: {  	[simem:s6], [sflag:s4] =	dma.local [hbm:s3], $0xF7A  }
0x26: {  	[smem:$0x3F9A] =	sst s1;
	(tag) =	ssettag s2;
	_ =	strace s9  }
0x27: {  	s1 =	sld [smem:$0x3FAA]  }
0x28: {  	s2 =	sld [smem:$0x3FAB]  }
0x29: {  	s4 =	sld [smem:$0x3FAD]  }
0x2a: {  	p0 =	seq.s32 s5, $0x0;
	s5 =	sld [smem:$0x3FAE]  }
0x2b: {  	s6 =	sld [smem:$0x3FAF]  }
0x2c: {  	s7 =	sld [smem:$0x3FB0]  }
0x2d: {  	s3 =	simm.s32 $0x108;
	s8 =	sld [smem:$0x3FB1]  }
0x2e: {  	s3 =	simm.s32 @!p0 $0x1082;
	s9 =	sld [smem:$0x3FB2]  }
0x2f: {  	lr =	sadd.s32 s0, s3;
	s0 =	sld [smem:$0x3FA9]  }
0x30: {  	s3 =	sld [smem:$0x3FAC]  }
0x31: {  	[smem:$0x3FB5] =	sst s10  }
0x32: {  	s10 =	sld [smem:$0x3FB3];
	_ =	sdelay $0x3  }
0x33: {  	p0 =	seq.s32 s10, $0x1;
	s10 =	sld [smem:$0x3FB5];
	_ =	sdelay $0x3  }
0x34: {  	[smem:$0x3FB5] =	sst s10  }
0x35: {  	s10 =	sld [smem:$0x3FB4];
	_ =	sdelay $0x3  }
0x36: {  	p1 =	seq.s32 s10, $0x1;
	s10 =	sld [smem:$0x3FB5];
	_ =	sdelay $0x3  }
0x37: {  	[smem:$0x3FB5] =	sst s10  }
0x38: {  	s10 =	sld [smem:$0x3FB6]  }
0x39: {  	_ = 	snop;
	(pc) =	sbr.ind lr, $3  }
0x3a: {  	_ = 	snop  }
0x3b: {  	_ = 	snop  }
0x3c: {  	p2 =	seq.s32 s10, $0x1;
	s10 =	sld [smem:$0x3FB5]  }
0x3d: {  	_ =	shalt  }
0x3e: {  	_ =	shalt  }
0x3f: {  	_ =	shalt  }
0x40: {  	_ =	shalt  }
0x41: {  	_ =	shalt  }
0x42: {  	_ =	shalt  }
0x43: {  	_ =	shalt  }
0x44: {  	_ =	shalt  }
0x45: {  	_ =	shalt  }
0x46: {  	_ =	shalt  }
0x47: {  	_ =	shalt  }
0x48: {  	_ =	shalt  }
0x49: {  	_ =	shalt  }
0x4a: {  	_ =	shalt  }
0x4b: {  	_ =	shalt  }
0x4c: {  	_ =	shalt  }
0x4d: {  	_ =	shalt  }
0x4e: {  	_ =	shalt  }
0x4f: {  	_ =	shalt  }
0x50: {  	_ =	shalt  }
0x51: {  	_ =	shalt  }
0x52: {  	_ =	shalt  }
0x53: {  	_ =	shalt  }
0x54: {  	_ =	shalt  }
0x55: {  	_ =	shalt  }
0x56: {  	_ =	shalt  }
0x57: {  	_ =	shalt  }
0x58: {  	_ =	shalt  }
0x59: {  	_ =	shalt  }
0x5a: {  	_ =	shalt  }
0x5b: {  	_ =	shalt  }
0x5c: {  	_ =	shalt  }
0x5d: {  	_ =	shalt  }
0x5e: {  	_ =	shalt  }
0x5f: {  	_ =	shalt  }
0x60: {  	_ =	shalt  }
0x61: {  	_ =	shalt  }
0x62: {  	_ =	shalt  }
0x63: {  	_ =	shalt  }
0x64: {  	_ =	shalt  }
0x65: {  	_ =	shalt  }
0x66: {  	_ =	shalt  }
0x67: {  	_ =	shalt  }
0x68: {  	_ =	shalt  }
0x69: {  	_ =	shalt  }
0x6a: {  	_ =	shalt  }
0x6b: {  	_ =	shalt  }
0x6c: {  	_ =	shalt  }
0x6d: {  	_ =	shalt  }
0x6e: {  	_ =	shalt  }
0x6f: {  	_ =	shalt  }
0x70: {  	_ =	shalt  }
0x71: {  	_ =	shalt  }
0x72: {  	_ =	shalt  }
0x73: {  	_ =	shalt  }
0x74: {  	_ =	shalt  }
0x75: {  	_ =	shalt  }
0x76: {  	_ =	shalt  }
0x77: {  	_ =	shalt  }
0x78: {  	_ =	shalt  }
0x79: {  	_ =	shalt  }
0x7a: {  	_ =	shalt  }
0x7b: {  	_ =	shalt  }
0x7c: {  	_ =	shalt  }
0x7d: {  	_ =	shalt  }
0x7e: {  	_ =	shalt  }
0x7f: {  	_ =	shalt  }
0x80: {  	_ =	shalt  }
0x81: {  	_ =	shalt  }
0x82: {  	_ =	shalt  }
0x83: {  	_ =	shalt  }
0x84: {  	_ =	shalt  }
0x85: {  	_ =	shalt  }
0x86: {  	_ =	shalt  }
0x87: {  	_ =	shalt  }
.Lfunc_end0:
.L_simem_size_0:
called_computation_lowered:
.L_overlay_start_0:
0x88: {  	s2 =	sld [smem:$0x3FD9]  }
0x89: {  	s3 =	sld [smem:$0x3FFE];
	_ =	sdelay $0x1  }
0x8a: {  	s1 =	srdreg.scid  }
0x8b: {  	s0 =	sand.u32 $0x1, s1  }
0x8c: {  	s17 =	sshll.u32 s0, $0xA;
	s2 =	sadd.s32 s3, s2  }
0x8d: {  	s2 =	sadd.s32 s2, s17  }
0x8e: {  	[smem:$0x3FC1] =	sst s2  }
0x8f: {  	_ = 	snop  }
0x90: {  	s2 =	sld [smem:$0x3FC9]  }
0x91: {  	s18 =	sld [smem:$0x3FC8];
	(tm) =	ssettm $0x1  }
0x92: {  	s4 =	sld [smem:$0x3FFB];
	_ =	sdelay $0x3  }
0x93: {  	_ =	strace s4  }
0x94: {  	s4 =	sld [smem:$0x3FFC];
	_ =	sdelay $0x3  }
0x95: {  	_ =	strace s4  }
0x96: {  	s4 =	sld [smem:$0x3FFD];
	_ =	sdelay $0x3  }
0x97: {  	_ =	strace s4  }
0x98: {  	_ =	strace $0x8FFFFFFF  }
0x99: {  	s19 =	sld [smem:$0x3FDB];
	_ =	sdelay $0x1  }
0x9a: {  	s5 =	simm.s32 $_scs_section_size  }
0x9b: {  	s6 =	simm.s32 $_size__tile_overlayer_lowered;
	s7 =	simm.s32 $_tile_overlayer_lowered  }
0x9c: {  	s22 =	simm.s32 $0x1BFF;
	s21 =	sshll.u32 s7, $0x1;
	s4 =	sadd.s32 s5, s19  }
0x9d: {  	s8 =	simm.s32 $0x0;
	s20 =	sshll.u32 s6, $0x1;
	s6 =	sadd.s32 s21, s4  }
0x9e: {  	[timem:s8], [sflag:s22] =	dma.local [hbm:s6], s20  }
0x9f: {  	_ =	swait.ge [sflag:s22], s20  }
0xa0: {  	s5 =	ssub.s32 $0x0, s20;
	[sflag:s22] =	ssyncset.done $0x0  }
0xa1: {  	[sflag:s22] =	ssyncadd.s32 s5;
	_ =	sdelay $0x1  }
0xa2: {  	s23 =	simm.s32 $0x1B8B  }
0xa3: {  	_ =	swait.ge [sflag:s23], $0x1  }
0xa4: {  	[sflag:s23] =	ssyncset.done $0x0  }
0xa5: {  	s25 =	simm.s32 $0x1B8E;
	s24 =	sld [smem:$0x3FFE];
	[sflag:s23] =	ssyncadd.s32 $0xFFFFFFFF  }
0xa6: {  	s26 =	simm.s32 $execute0_lowered;
	[smem:$0x3FD2] =	sst s25  }
0xa7: {  	s6 =	sshll.u32 s26, $0x1;
	_ =	strace $0x80000046;
	[dreg:$0x1] =	wrdreg $0xFFFFFFFF  }
0xa8: {  	s28 =	simm.s32 $_size_execute0_lowered;
	s4 =	sadd.s32 s4, s6;
	[dreg:$0x0] =	wrdreg $0x0  }
0xa9: {  	s6 =	sshll.u32 s28, $0x1;
	[dreg:$0x2] =	wrdreg s4  }
0xaa: {  	[dreg:$0x3] =	wrdreg s6  }
0xab: {  	[dreg:$0x4] =	wrdreg $0xC0  }
0xac: {  	_ =	task [dreg:s8], $0x5FFFF  }
0xad: {  	[dreg:$0x1] =	wrdreg $0xFFFFFFFF  }
0xae: {  	[dreg:$0x0] =	wrdreg $0x60  }
0xaf: {  	[dreg:$0x2] =	wrdreg s2  }
0xb0: {  	[dreg:$0x3] =	wrdreg s18  }
0xb1: {  	[dreg:$0x4] =	wrdreg s24  }
0xb2: {  	[dreg:$0x5] =	wrdreg $0x9  }
0xb3: {  	_ =	task.clear_ibuf [dreg:s8], $0x6FFFF;
	_ =	strace $0x90000046  }
0xb4: {  	s29 =	simm.s32 $0x9;
	_ =	strace $0x80000048  }
0xb5: {  	_ =	swait.ge [sflag:s29], $0x1  }
0xb6: {  	[sflag:s29] =	ssyncadd.s32 $0xFFFFFFFF  }
0xb7: {  	_ =	strace $0x90000048  }
0xb8: {  	_ =	sfence  }
0xb9: {  	s30 =	sld [smem:$0x0];
	_ =	sdelay $0x2  }
0xba: {  	s31 =	sshll.u32 s1, $0xD;
	s1 =	sshrl.u32 s1, $0x2  }
0xbb: {  	s3 =	sand.u32 $0x4000, s31;
	s1 =	sadd.s32 s1, s30  }
0xbc: {  	s0 =	sor.u32 s3, s0;
	s1 =	sshll.u32 s1, $0x11  }
0xbd: {  	s0 =	sor.u32 s1, s0  }
0xbe: {  	s0 =	sadd.s32 $0x8F2B, s0  }
0xbf: {  	[sflag:s0] =	ssyncadd.remote.s32 $0x1  }
0xc0: {  	_ =	sfence.sel $0xFFFF  }
0xc1: {  	[dreg:$0x0] =	wrdreg $0xFFFFFFFF;
	(pc) =	sbr.abs _section_cstart, $3  }
0xc2: {  	[dreg:$0x1] =	wrdreg $0xFFFFFFFF  }
0xc3: {  	_ =	task.clear_ibuf [dreg:s8], $0x2FFFF;
	_ =	strace $0x9FFFFFFF  }
0xc4: {  	(tm) =	ssettm $0x7FFFFFFF  }
0xc5: {  	_ =	shalt  }
tec
execute0_lowered:
.L_overlay_start_1:
0x0: {  	(tag) =	ssettag $0x1  }
0x1: {  	s0 =	rddreg [dreg:$0x0]  }
0x2: {  	s4 =	rddreg [dreg:$0x1]  }
0x3: {  	s6 =	rddreg [dreg:$0x2];
	s1 =	simm.s32 $0x0;
	s20 =	srdreg.scid  }
0x4: {  	s13 =	stileid.u32;
	s28 =	simm.s32 $0x2;
	[smem:$0x7FF] =	sst s1  }
0x5: {  	s2 =	sadd.s32 $0x12600, s6;
	s3 =	sadd.s32 $0x52800, s6;
	s5 =	sadd.s32 $0x2400, s6  }
0x6: {  	s7 =	sadd.s32 $0x92A00, s6;
	s8 =	sadd.s32 $0x92C00, s6;
	s21 =	sshll.u32 s13, $0xC  }
0x7: {  	s11 =	sshll.u32 s13, $0x10;
	_ =	strace $0x80000047;
	[dreg:$0x4] =	wrdreg s7  }
0x8: {  	s23 =	sshll.u32 s13, $0x12;
	[dreg:$0x5] =	wrdreg s8;
	s7 =	sand.u32 $0x1, s20  }
0x9: {  	s6 =	sadd.s32 s11, s6;
	s24 =	sadd.s32 s23, s4;
	s9 =	ssub.s32 $0x2, s7  }
0xa: {  	s10 =	sshll.u32 s7, $0xB;
	[dreg:$0xa] =	wrdreg s24;
	s25 =	sshll.u32 s7, $0xF  }
0xb: {  	s24 =	simm.s32 $0x2400;
	s12 =	sshrl.u32 s9, $0x1;
	s8 =	sor.u32 s10, s21  }
0xc: {  	s9 =	ssub.s32 s9, s12;
	s10 =	sshll.u32 s8, $0x6;
	s29 =	sor.u32 $0x40, s8  }
0xd: {  	s12 =	sshll.u32 s7, $0x11;
	s26 =	sor.u32 $0x20, s8;
	[dreg:$0xc] =	wrdreg s29  }
0xe: {  	s31 =	sshrl.u32 s8, $0x3;
	s22 =	sadd.s32 s0, s10;
	[dreg:$0xb] =	wrdreg s26  }
0xf: {  	s10 =	sadd.s32 s4, s10;
	s9 =	smax.u32 s9, $0x1;
	[dreg:$0x6] =	wrdreg s22  }
0x10: {  	s0 =	sadd.s32 s23, s0;
	s4 =	sshrl.u32 s26, $0x3;
	[dreg:$0x7] =	wrdreg s10  }
.Ltmp0:
0x11: {  	[dreg:$0x9] =	wrdreg s0;
	s0 =	sadd.s32 s25, s6;
	(pc) =	sbr.rel .LBB2_1-.Ltmp0, $4  }
0x12: {  	[dreg:$0x8] =	wrdreg s9;
	s30 =	smul.u32 $0x480, s4;
	s0 =	sadd.s32 $0x992E00, s0  }
0x13: {  	s19 =	smov.u32 s8;
	[dreg:$0xd] =	wrdreg s0;
	s0 =	smul.u32 $0x480, s31  }
0x14: {  	s7 =	simm.s32 $0x0;
	s23 =	simm.s32 $0x1000;
	[dreg:$0xe] =	wrdreg s30  }
0x15: {  	s22 =	simm.s32 $0x1;
	[dreg:$0xf] =	wrdreg s0;
	s0 =	simm.s32 $0x3  }
.LBB2_10:
0x16: {  	s6 =	simm.s32 $0x4  }
0x17: {  	_ =	swait.ge [sflag:s6], $0x4000  }
0x18: {  	[sflag:s6] =	ssyncset.done $0x0  }
0x19: {  	[sflag:s6] =	ssyncadd.s32 $0xFFFFC000  }
0x1a: {  	_ =	swait.ge [sflag:s6], $0x4000  }
0x1b: {  	[sflag:s6] =	ssyncset.done $0x0  }
0x1c: {  	[sflag:s6] =	ssyncadd.s32 $0xFFFFC000  }
0x1d: {  	_ =	swait.ge [sflag:s6], $0x1000  }
0x1e: {  	s7 =	rddreg [dreg:$0x10]  }
0x1f: {  	s4 =	rddreg [dreg:$0x8];
	s7 =	sadd.s32 $0x1, s7  }
0x20: {  	p0 =	sne.s32 s7, s4  }
.Ltmp1:
0x21: {  	_ = 	snop;
	(pc) =	sbr.rel @!p0 .LBB2_11-.Ltmp1, $3  }
0x22: {  	_ =	sdelay $0x1  }
0x23: {  	[sflag:s6] =	ssyncset.done $0x0  }
0x24: {  	[sflag:s6] =	ssyncadd.s32 $0xFFFFF000  }
.LBB2_1:
0x25: {  	[dreg:$0x10] =	wrdreg s7  }
0x26: {  	s4 =	rddreg [dreg:$0x4];
	s6 =	simm.s32 $0x12000;
	s8 =	simm.s32 $0x5  }
0x27: {  	[tilespmem:s6], [sflag:$0x5] =	stream.linear.gather [hbm4b:s4+s1], $0x80, $0x38;
	[tilespmem:$0x12080] =	vst v63  }
0x28: {  	_ =	swait.ge [sflag:s8], $0x80  }
0x29: {  	[sflag:s8] =	ssyncset.done $0x0  }
0x2a: {  	[sflag:s8] =	ssyncadd.s32 $0xFFFFFF80  }
0x2b: {  	v0 =	vld [tilespmem:$0x12000];
	_ =	sdelay $0x4  }
0x2c: {  	(v2sf) =	vpush v0, $0x0;
	_ =	sdelay $0xe  }
0x2d: {  	s4 =	spop (v2sf)  }
0x2e: {  	s8 =	rddreg [dreg:$0x6];
	s13 =	ssub.s32 $0xFFFF0020, s4  }
0x2f: {  	s14 =	ssub.s32 $0x28, s4;
	[dreg:$0x11] =	wrdreg s13  }
0x30: {  	s15 =	ssub.s32 $0xFFFF0028, s4;
	[dreg:$0x12] =	wrdreg s14  }
0x31: {  	s16 =	ssub.s32 $0x30, s4;
	[dreg:$0x13] =	wrdreg s15  }
0x32: {  	s17 =	ssub.s32 $0xFFFF0030, s4;
	[dreg:$0x14] =	wrdreg s16  }
0x33: {  	s18 =	ssub.s32 $0x38, s4;
	[dreg:$0x15] =	wrdreg s17  }
0x34: {  	s20 =	ssub.s32 $0xFFFF0038, s4;
	[dreg:$0x16] =	wrdreg s18  }
0x35: {  	s21 =	ssub.s32 $0xFFFF0000, s4;
	[dreg:$0x17] =	wrdreg s20  }
0x36: {  	s25 =	ssub.s32 $0x8, s4;
	[dreg:$0x18] =	wrdreg s21  }
0x37: {  	s26 =	ssub.s32 $0xFFFF0008, s4;
	[dreg:$0x19] =	wrdreg s25  }
0x38: {  	s6 =	ssub.s32 s19, s4;
	s29 =	ssub.s32 $0x10, s4;
	[dreg:$0x1a] =	wrdreg s26  }
0x39: {  	s30 =	ssub.s32 $0xFFFF0010, s4;
	s9 =	sshrl.u32 s6, $0xF;
	[dreg:$0x1b] =	wrdreg s29  }
0x3a: {  	s31 =	ssub.s32 $0x18, s4;
	[dreg:$0x1c] =	wrdreg s30;
	s7 =	sand.u32 $0x10000, s9  }
0x3b: {  	[dreg:$0x1d] =	wrdreg s31;
	s7 =	sadd.s32 s6, s7  }
0x3c: {  	s14 =	rddreg [dreg:$0x5];
	p0 =	sgt.s32 s7, $0xFE8  }
0x3d: {  	s17 =	rddreg [dreg:$0xd];
	s9 =	simm.s32 @p0 $0x0  }
0x3e: {  	[tilespmem:s9], [sflag:$0x1] =	stream.linear.gather @p0 [hbm4b:s8+s9], $0x4000, $0x38;
	[tilespmem:$0x12080] =	vst v63  }
0x3f: {  	s10 =	simm.s32 @p0 $0x4000;
	s8 =	rddreg [dreg:$0x7]  }
0x40: {  	[tilespmem:s10], [sflag:$0x1] =	stream.linear.gather @p0 [hbm4b:s8+s9], $0x4000, $0x38;
	[tilespmem:$0x12080] =	vst v63  }
0x41: {  	s15 =	rddreg [dreg:$0xa];
	s9 =	sshll.u32 @!p0 s7, $0x6  }
0x42: {  	s20 =	ssub.s32 $0x0, s4;
	s21 =	rddreg [dreg:$0x9];
	s9 =	sand.u32 @!p0 $0x1FFFFE00, s9  }
0x43: {  	s11 =	simm.s32 @!p0 $0x0;
	s7 =	sshll.u32 @!p0 s7, $0x4;
	s10 =	sadd.s32 @!p0 s2, s9  }
0x44: {  	[tilespmem:s11], [sflag:$0x1] =	stream.linear.gather @!p0 [hbm4b:s10+s11], $0x4000, $0x38;
	[tilespmem:$0x12080] =	vst v63  }
0x45: {  	s7 =	sand.u32 @!p0 $0x1FFFFF80, s7;
	s9 =	sadd.s32 @!p0 s3, s9;
	s10 =	simm.s32 @!p0 $0x4000  }
0x46: {  	[tilespmem:s10], [sflag:$0x1] =	stream.linear.gather @!p0 [hbm4b:s9+s11], $0x4000, $0x38;
	[tilespmem:$0x12080] =	vst v63  }
0x47: {  	s7 =	sadd.s32 @!p0 s5, s7;
	s9 =	simm.s32 @!p0 $0x8000;
	s10 =	rddreg [dreg:$0xc]  }
0x48: {  	[tilespmem:s9], [sflag:$0x1] =	stream.linear.gather @!p0 [hbm4b:s7+s11], $0x1000, $0x38;
	[tilespmem:$0x12080] =	vst v63  }
0x49: {  	s7 =	ssub.s32 $0x40, s4;
	s9 =	ssub.s32 s10, s4;
	s11 =	rddreg [dreg:$0xb]  }
0x4a: {  	s10 =	ssub.s32 $0x20, s4;
	s11 =	ssub.s32 s11, s4;
	s4 =	ssub.s32 $0xFFFF0018, s4  }
0x4b: {  	[dreg:$0x1e] =	wrdreg s4;
	s4 =	simm.s32 $0x0  }
.LBB2_2:
0x4c: {  	p1 =	seq.s32 s4, $0x0  }
0x4d: {  	s30 =	simm.s32 @!p1 $0x4  }
0x4e: {  	_ =	swait.ge @!p1 [sflag:s30], $0x4000  }
0x4f: {  	[sflag:s30] =	ssyncset.done @!p1 $0x0  }
0x50: {  	[sflag:s30] =	ssyncadd.s32 @!p1 $0xFFFFC000  }
0x51: {  	s25 =	sshrl.u32 s11, $0xF;
	_ =	swait.ge @!p1 [sflag:s30], $0x4000  }
0x52: {  	s26 =	sand.u32 $0x10000, s25;
	[sflag:s30] =	ssyncset.done @!p1 $0x0  }
0x53: {  	s25 =	sadd.s32 s4, s19;
	s29 =	sadd.s32 s26, s10;
	[sflag:s30] =	ssyncadd.s32 @!p1 $0xFFFFC000  }
0x54: {  	s29 =	sadd.s32 s29, s25;
	_ =	swait.ge @!p1 [sflag:s30], $0x1000  }
0x55: {  	p0 =	sgt.s32 s29, $0xFE8;
	[sflag:s30] =	ssyncset.done @!p1 $0x0  }
0x56: {  	[sflag:s30] =	ssyncadd.s32 @!p1 $0xFFFFF000;
	s30 =	sadd.s32 @p0 s21, s12  }
0x57: {  	s31 =	simm.s32 @p0 $0x0;
	s16 =	simm.s32 @p0 $0x9000;
	s30 =	sadd.s32 @p0 $0x800, s30  }
0x58: {  	[tilespmem:s16], [sflag:$0x2] =	stream.linear.gather @p0 [hbm4b:s30+s31], $0x4000, $0x38;
	[tilespmem:$0x12080] =	vst v63  }
0x59: {  	s16 =	sadd.s32 @p0 s15, s12  }
0x5a: {  	s30 =	simm.s32 @p0 $0xD000;
	s16 =	sadd.s32 @p0 $0x800, s16  }
0x5b: {  	[tilespmem:s30], [sflag:$0x2] =	stream.linear.gather @p0 [hbm4b:s16+s31], $0x4000, $0x38;
	[tilespmem:$0x12080] =	vst v63  }
0x5c: {  	s16 =	sshll.u32 @!p0 s29, $0x6  }
0x5d: {  	s16 =	sand.u32 @!p0 $0x1FFFFE00, s16  }
0x5e: {  	s13 =	simm.s32 @!p0 $0x9000;
	s31 =	simm.s32 @!p0 $0x0;
	s30 =	sadd.s32 @!p0 s2, s16  }
0x5f: {  	[tilespmem:s13], [sflag:$0x2] =	stream.linear.gather @!p0 [hbm4b:s30+s31], $0x4000, $0x38;
	[tilespmem:$0x12080] =	vst v63  }
0x60: {  	s13 =	sadd.s32 @!p0 s3, s16;
	s16 =	simm.s32 @!p0 $0xD000  }
0x61: {  	[tilespmem:s16], [sflag:$0x2] =	stream.linear.gather @!p0 [hbm4b:s13+s31], $0x4000, $0x38;
	[tilespmem:$0x12080] =	vst v63  }
0x62: {  	s13 =	sshll.u32 @!p0 s29, $0x4  }
0x63: {  	s18 =	sshrl.u32 s6, $0xF;
	s13 =	sand.u32 @!p0 $0x1FFFFF80, s13  }
0x64: {  	s30 =	sand.u32 $0x10000, s18;
	s16 =	simm.s32 @!p0 $0x11000;
	s13 =	sadd.s32 @!p0 s5, s13  }
0x65: {  	[tilespmem:s16], [sflag:$0x2] =	stream.linear.gather @!p0 [hbm4b:s13+s31], $0x1000, $0x38;
	[tilespmem:$0x12080] =	vst v63  }
0x66: {  	s13 =	sadd.s32 s30, s20  }
0x67: {  	s31 =	sadd.s32 s13, s25  }
0x68: {  	_ =	swait.ge [sflag:s22], $0x4000;
	p1 =	sgt.s32 s31, $0xFE8  }
.Ltmp2:
0x69: {  	[sflag:s22] =	ssyncset.done $0x0;
	(pc) =	sbr.rel @!p1 .LBB2_3-.Ltmp2, $4  }
0x6a: {  	[sflag:s22] =	ssyncadd.s32 $0xFFFFC000  }
0x6b: {  	_ =	swait.ge [sflag:s22], $0x4000  }
0x6c: {  	[sflag:s22] =	ssyncset.done $0x0  }
0x6d: {  	[sflag:s22] =	ssyncadd.s32 $0xFFFFC000  }
0x6e: {  	s8 =	rddreg [dreg:$0x18]  }
0x6f: {  	s13 =	sadd.s32 s30, s8  }
0x70: {  	p1 =	sgt.u32 s31, $0xFFFF;
	s13 =	sadd.s32 s13, s25  }
0x71: {  	s31 =	smov.u32 @p1 s13  }
0x72: {  	p2 =	sgt.s32 s31, $0x1007  }
0x73: {  	s13 =	sshll.u32 @!p2 s31, $0x6  }
0x74: {  	s13 =	sand.u32 @!p2 $0x1FFFFE00, s13  }
0x75: {  	s18 =	simm.s32 @!p2 $0x0;
	s16 =	sadd.s32 @!p2 s2, s13  }
0x76: {  	[tilespmem:s18], [sflag:$0x5] =	stream.linear.gather @!p2 [hbm4b:s16+s18], $0x1000, $0x38;
	[tilespmem:$0x12080] =	vst v63  }
0x77: {  	s16 =	simm.s32 @!p2 $0x5  }
0x78: {  	_ =	swait.ge @!p2 [sflag:s16], $0x1000  }
0x79: {  	[sflag:s16] =	ssyncset.done @!p2 $0x0  }
0x7a: {  	s8 =	simm.s32 @!p2 $0x4000;
	s13 =	sadd.s32 @!p2 s3, s13;
	[sflag:s16] =	ssyncadd.s32 @!p2 $0xFFFFF000  }
0x7b: {  	[tilespmem:s8], [sflag:$0x5] =	stream.linear.gather @!p2 [hbm4b:s13+s18], $0x1000, $0x38;
	[tilespmem:$0x12080] =	vst v63  }
0x7c: {  	s8 =	sshll.u32 @!p2 s31, $0x4  }
0x7d: {  	_ =	swait.ge @!p2 [sflag:s16], $0x1000;
	s8 =	sand.u32 @!p2 $0x1FFFFF80, s8  }
0x7e: {  	s31 =	rddreg [dreg:$0x19];
	[sflag:s16] =	ssyncset.done @!p2 $0x0;
	s8 =	sadd.s32 @!p2 s5, s8  }
0x7f: {  	s13 =	sadd.s32 s30, s31;
	[sflag:s16] =	ssyncadd.s32 @!p2 $0xFFFFF000;
	s31 =	simm.s32 @!p2 $0x8000  }
0x80: {  	[tilespmem:s31], [sflag:$0x5] =	stream.linear.gather @!p2 [hbm4b:s8+s18], $0x400, $0x38;
	[tilespmem:$0x12080] =	vst v63  }
0x81: {  	s18 =	rddreg [dreg:$0x1a]  }
0x82: {  	s13 =	sadd.s32 s13, s25;
	s8 =	sadd.s32 s30, s18  }
0x83: {  	p1 =	sgt.s32 s13, $0xFFFF;
	s8 =	sadd.s32 s8, s25  }
0x84: {  	s13 =	smov.u32 @p1 s8  }
0x85: {  	_ =	swait.ge @!p2 [sflag:s16], $0x400;
	p1 =	sgt.s32 s13, $0x1007  }
0x86: {  	[sflag:s16] =	ssyncset.done @!p2 $0x0;
	s8 =	sshll.u32 @!p1 s13, $0x6  }
0x87: {  	[sflag:s16] =	ssyncadd.s32 @!p2 $0xFFFFFC00;
	s8 =	sand.u32 @!p1 $0x1FFFFE00, s8  }
0x88: {  	s18 =	simm.s32 @!p1 $0x0;
	s31 =	simm.s32 @!p1 $0x1000;
	s16 =	sadd.s32 @!p1 s2, s8  }
0x89: {  	[tilespmem:s31], [sflag:$0x5] =	stream.linear.gather @!p1 [hbm4b:s16+s18], $0x1000, $0x38;
	[tilespmem:$0x12080] =	vst v63  }
0x8a: {  	s16 =	simm.s32 @!p1 $0x5  }
0x8b: {  	_ =	swait.ge @!p1 [sflag:s16], $0x1000  }
0x8c: {  	[sflag:s16] =	ssyncset.done @!p1 $0x0  }
0x8d: {  	s8 =	sadd.s32 @!p1 s3, s8;
	s31 =	simm.s32 @!p1 $0x5000;
	[sflag:s16] =	ssyncadd.s32 @!p1 $0xFFFFF000  }
0x8e: {  	[tilespmem:s31], [sflag:$0x5] =	stream.linear.gather @!p1 [hbm4b:s8+s18], $0x1000, $0x38;
	[tilespmem:$0x12080] =	vst v63  }
0x8f: {  	s8 =	sshll.u32 @!p1 s13, $0x4  }
0x90: {  	_ =	swait.ge @!p1 [sflag:s16], $0x1000;
	s8 =	sand.u32 @!p1 $0x1FFFFF80, s8  }
0x91: {  	s31 =	rddreg [dreg:$0x1b];
	[sflag:s16] =	ssyncset.done @!p1 $0x0;
	s8 =	sadd.s32 @!p1 s5, s8  }
0x92: {  	s13 =	sadd.s32 s30, s31;
	[sflag:s16] =	ssyncadd.s32 @!p1 $0xFFFFF000;
	s31 =	simm.s32 @!p1 $0x8400  }
0x93: {  	[tilespmem:s31], [sflag:$0x5] =	stream.linear.gather @!p1 [hbm4b:s8+s18], $0x400, $0x38;
	[tilespmem:$0x12080] =	vst v63  }
0x94: {  	s18 =	rddreg [dreg:$0x1c]  }
0x95: {  	s13 =	sadd.s32 s13, s25;
	s8 =	sadd.s32 s30, s18  }
0x96: {  	p2 =	sgt.s32 s13, $0xFFFF;
	s8 =	sadd.s32 s8, s25  }
0x97: {  	s13 =	smov.u32 @p2 s8  }
0x98: {  	_ =	swait.ge @!p1 [sflag:s16], $0x400;
	p2 =	sgt.s32 s13, $0x1007  }
0x99: {  	[sflag:s16] =	ssyncset.done @!p1 $0x0;
	s8 =	sshll.u32 @!p2 s13, $0x6  }
0x9a: {  	[sflag:s16] =	ssyncadd.s32 @!p1 $0xFFFFFC00;
	s8 =	sand.u32 @!p2 $0x1FFFFE00, s8  }
0x9b: {  	s18 =	simm.s32 @!p2 $0x0;
	s31 =	simm.s32 @!p2 $0x2000;
	s16 =	sadd.s32 @!p2 s2, s8  }
0x9c: {  	[tilespmem:s31], [sflag:$0x5] =	stream.linear.gather @!p2 [hbm4b:s16+s18], $0x1000, $0x38;
	[tilespmem:$0x12080] =	vst v63  }
0x9d: {  	s16 =	simm.s32 @!p2 $0x5  }
0x9e: {  	_ =	swait.ge @!p2 [sflag:s16], $0x1000  }
0x9f: {  	[sflag:s16] =	ssyncset.done @!p2 $0x0  }
0xa0: {  	s8 =	sadd.s32 @!p2 s3, s8;
	s31 =	simm.s32 @!p2 $0x6000;
	[sflag:s16] =	ssyncadd.s32 @!p2 $0xFFFFF000  }
0xa1: {  	[tilespmem:s31], [sflag:$0x5] =	stream.linear.gather @!p2 [hbm4b:s8+s18], $0x1000, $0x38;
	[tilespmem:$0x12080] =	vst v63  }
0xa2: {  	s8 =	sshll.u32 @!p2 s13, $0x4  }
0xa3: {  	_ =	swait.ge @!p2 [sflag:s16], $0x1000;
	s8 =	sand.u32 @!p2 $0x1FFFFF80, s8  }
0xa4: {  	s31 =	rddreg [dreg:$0x1d];
	[sflag:s16] =	ssyncset.done @!p2 $0x0;
	s8 =	sadd.s32 @!p2 s5, s8  }
0xa5: {  	s13 =	sadd.s32 s30, s31;
	[sflag:s16] =	ssyncadd.s32 @!p2 $0xFFFFF000;
	s31 =	simm.s32 @!p2 $0x8800  }
0xa6: {  	[tilespmem:s31], [sflag:$0x5] =	stream.linear.gather @!p2 [hbm4b:s8+s18], $0x400, $0x38;
	[tilespmem:$0x12080] =	vst v63  }
0xa7: {  	s31 =	rddreg [dreg:$0x1e]  }
0xa8: {  	s13 =	sadd.s32 s13, s25;
	s8 =	sadd.s32 s30, s31  }
0xa9: {  	p1 =	sgt.s32 s13, $0xFFFF;
	s8 =	sadd.s32 s8, s25  }
0xaa: {  	s13 =	smov.u32 @p1 s8  }
0xab: {  	_ =	swait.ge @!p2 [sflag:s16], $0x400;
	p1 =	sgt.s32 s13, $0x1007  }
0xac: {  	[sflag:s16] =	ssyncset.done @!p2 $0x0;
	s8 =	sshll.u32 @!p1 s13, $0x6  }
0xad: {  	[sflag:s16] =	ssyncadd.s32 @!p2 $0xFFFFFC00;
	s8 =	sand.u32 @!p1 $0x1FFFFE00, s8  }
0xae: {  	s18 =	simm.s32 @!p1 $0x0;
	s30 =	simm.s32 @!p1 $0x3000;
	s16 =	sadd.s32 @!p1 s2, s8  }
0xaf: {  	[tilespmem:s30], [sflag:$0x5] =	stream.linear.gather @!p1 [hbm4b:s16+s18], $0x1000, $0x38;
	[tilespmem:$0x12080] =	vst v63  }
0xb0: {  	s16 =	simm.s32 @!p1 $0x5  }
0xb1: {  	_ =	swait.ge @!p1 [sflag:s16], $0x1000  }
0xb2: {  	[sflag:s16] =	ssyncset.done @!p1 $0x0  }
0xb3: {  	s8 =	sadd.s32 @!p1 s3, s8;
	s30 =	simm.s32 @!p1 $0x7000;
	[sflag:s16] =	ssyncadd.s32 @!p1 $0xFFFFF000  }
0xb4: {  	[tilespmem:s30], [sflag:$0x5] =	stream.linear.gather @!p1 [hbm4b:s8+s18], $0x1000, $0x38;
	[tilespmem:$0x12080] =	vst v63  }
0xb5: {  	s8 =	sshll.u32 @!p1 s13, $0x4;
	_ =	swait.ge @!p1 [sflag:s16], $0x1000  }
0xb6: {  	s13 =	simm.s32 @!p1 $0x8C00;
	s8 =	sand.u32 @!p1 $0x1FFFFF80, s8;
	[sflag:s16] =	ssyncset.done @!p1 $0x0  }
.Ltmp3:
0xb7: {  	s8 =	sadd.s32 @!p1 s5, s8;
	[sflag:s16] =	ssyncadd.s32 @!p1 $0xFFFFF000;
	(pc) =	sbr.rel .LBB2_5-.Ltmp3, $4  }
0xb8: {  	[tilespmem:s13], [sflag:$0x5] =	stream.linear.gather @!p1 [hbm4b:s8+s18], $0x400, $0x38;
	[tilespmem:$0x12080] =	vst v63  }
0xb9: {  	_ =	swait.ge @!p1 [sflag:s16], $0x400  }
0xba: {  	[sflag:s16] =	ssyncset.done @!p1 $0x0  }
0xbb: {  	[sflag:s16] =	ssyncadd.s32 @!p1 $0xFFFFFC00  }
.LBB2_3:
0xbc: {  	_ =	swait.ge [sflag:s22], $0x1000  }
0xbd: {  	[sflag:s22] =	ssyncset.done $0x0  }
0xbe: {  	[sflag:s22] =	ssyncadd.s32 $0xFFFFF000  }
.LBB2_5:
0xbf: {  	s8 =	rddreg [dreg:$0xf]  }
0xc0: {  	s8 =	sadd.s32 s14, s8  }
0xc1: {  	[hbm4b:s8+s23] =	stream.strided.scatter [tilespmem:s1], [sflag:$0x3], $0x4000, s24, s23, $0x38;
	[tilespmem:$0x12080] =	vst v63  }
0xc2: {  	s13 =	simm.s32 $0x4000;
	s8 =	sadd.s32 $0x200, s8  }
0xc3: {  	[hbm4b:s8+s23] =	stream.strided.scatter [tilespmem:s13], [sflag:$0x3], $0x4000, s24, s23, $0x38;
	[tilespmem:$0x12080] =	vst v63  }
0xc4: {  	s30 =	sadd.s32 $0xFFFFFE00, s17;
	s31 =	simm.s32 $0x8000  }
0xc5: {  	[hbm4b:s30+s1] =	stream.linear.scatter [tilespmem:s31], [sflag:$0x3], $0x1000, $0x38;
	[tilespmem:$0x12080] =	vst v63  }
0xc6: {  	_ =	swait.ge [sflag:s28], $0x4000  }
.Ltmp4:
0xc7: {  	[sflag:s28] =	ssyncset.done $0x0;
	(pc) =	sbr.rel @!p0 .LBB2_6-.Ltmp4, $4  }
0xc8: {  	[sflag:s28] =	ssyncadd.s32 $0xFFFFC000  }
0xc9: {  	_ =	swait.ge [sflag:s28], $0x4000  }
0xca: {  	[sflag:s28] =	ssyncset.done $0x0  }
0xcb: {  	[sflag:s28] =	ssyncadd.s32 $0xFFFFC000  }
0xcc: {  	s8 =	rddreg [dreg:$0x11]  }
0xcd: {  	s8 =	sadd.s32 s26, s8  }
0xce: {  	p0 =	sgt.u32 s29, $0xFFFF;
	s8 =	sadd.s32 s8, s25  }
0xcf: {  	s29 =	smov.u32 @p0 s8  }
0xd0: {  	p1 =	sgt.s32 s29, $0x1007  }
0xd1: {  	s8 =	sshll.u32 @!p1 s29, $0x6  }
0xd2: {  	s8 =	sand.u32 @!p1 $0x1FFFFE00, s8  }
0xd3: {  	s16 =	simm.s32 @!p1 $0x0;
	s18 =	simm.s32 @!p1 $0x9000;
	s13 =	sadd.s32 @!p1 s2, s8  }
0xd4: {  	[tilespmem:s18], [sflag:$0x5] =	stream.linear.gather @!p1 [hbm4b:s13+s16], $0x1000, $0x38;
	[tilespmem:$0x12080] =	vst v63  }
0xd5: {  	s13 =	simm.s32 @!p1 $0x5  }
0xd6: {  	_ =	swait.ge @!p1 [sflag:s13], $0x1000  }
0xd7: {  	[sflag:s13] =	ssyncset.done @!p1 $0x0  }
0xd8: {  	s8 =	sadd.s32 @!p1 s3, s8;
	s18 =	simm.s32 @!p1 $0xD000;
	[sflag:s13] =	ssyncadd.s32 @!p1 $0xFFFFF000  }
0xd9: {  	[tilespmem:s18], [sflag:$0x5] =	stream.linear.gather @!p1 [hbm4b:s8+s16], $0x1000, $0x38;
	[tilespmem:$0x12080] =	vst v63  }
0xda: {  	s8 =	sshll.u32 @!p1 s29, $0x4;
	_ =	swait.ge @!p1 [sflag:s13], $0x1000  }
0xdb: {  	s8 =	sand.u32 @!p1 $0x1FFFFF80, s8;
	s29 =	rddreg [dreg:$0x12]  }
0xdc: {  	[sflag:s13] =	ssyncset.done @!p1 $0x0;
	s8 =	sadd.s32 @!p1 s5, s8;
	s30 =	rddreg [dreg:$0x13]  }
0xdd: {  	s18 =	sadd.s32 s26, s29;
	[sflag:s13] =	ssyncadd.s32 @!p1 $0xFFFFF000;
	s29 =	simm.s32 @!p1 $0x11000  }
0xde: {  	[tilespmem:s29], [sflag:$0x5] =	stream.linear.gather @!p1 [hbm4b:s8+s16], $0x400, $0x38;
	[tilespmem:$0x12080] =	vst v63  }
0xdf: {  	s8 =	sadd.s32 s26, s30;
	s16 =	sadd.s32 s18, s25  }
0xe0: {  	p0 =	sgt.s32 s16, $0xFFFF;
	s8 =	sadd.s32 s8, s25  }
0xe1: {  	s16 =	smov.u32 @p0 s8  }
0xe2: {  	_ =	swait.ge @!p1 [sflag:s13], $0x400;
	p0 =	sgt.s32 s16, $0x1007  }
0xe3: {  	[sflag:s13] =	ssyncset.done @!p1 $0x0;
	s8 =	sshll.u32 @!p0 s16, $0x6  }
0xe4: {  	[sflag:s13] =	ssyncadd.s32 @!p1 $0xFFFFFC00;
	s8 =	sand.u32 @!p0 $0x1FFFFE00, s8  }
0xe5: {  	s18 =	simm.s32 @!p0 $0x0;
	s29 =	simm.s32 @!p0 $0xA000;
	s13 =	sadd.s32 @!p0 s2, s8  }
0xe6: {  	[tilespmem:s29], [sflag:$0x5] =	stream.linear.gather @!p0 [hbm4b:s13+s18], $0x1000, $0x38;
	[tilespmem:$0x12080] =	vst v63  }
0xe7: {  	s13 =	simm.s32 @!p0 $0x5  }
0xe8: {  	_ =	swait.ge @!p0 [sflag:s13], $0x1000  }
0xe9: {  	[sflag:s13] =	ssyncset.done @!p0 $0x0  }
0xea: {  	s8 =	sadd.s32 @!p0 s3, s8;
	s29 =	simm.s32 @!p0 $0xE000;
	[sflag:s13] =	ssyncadd.s32 @!p0 $0xFFFFF000  }
0xeb: {  	[tilespmem:s29], [sflag:$0x5] =	stream.linear.gather @!p0 [hbm4b:s8+s18], $0x1000, $0x38;
	[tilespmem:$0x12080] =	vst v63  }
0xec: {  	s8 =	sshll.u32 @!p0 s16, $0x4;
	_ =	swait.ge @!p0 [sflag:s13], $0x1000  }
0xed: {  	s29 =	simm.s32 @!p0 $0x11400;
	s8 =	sand.u32 @!p0 $0x1FFFFF80, s8;
	[sflag:s13] =	ssyncset.done @!p0 $0x0  }
0xee: {  	s31 =	rddreg [dreg:$0x14];
	s8 =	sadd.s32 @!p0 s5, s8;
	[sflag:s13] =	ssyncadd.s32 @!p0 $0xFFFFF000  }
0xef: {  	[tilespmem:s29], [sflag:$0x5] =	stream.linear.gather @!p0 [hbm4b:s8+s18], $0x400, $0x38;
	[tilespmem:$0x12080] =	vst v63  }
0xf0: {  	s16 =	sadd.s32 s26, s31;
	s29 =	rddreg [dreg:$0x15]  }
0xf1: {  	s16 =	sadd.s32 s16, s25;
	s8 =	sadd.s32 s26, s29  }
0xf2: {  	p1 =	sgt.s32 s16, $0xFFFF;
	s8 =	sadd.s32 s8, s25  }
0xf3: {  	s16 =	smov.u32 @p1 s8  }
0xf4: {  	_ =	swait.ge @!p0 [sflag:s13], $0x400;
	p1 =	sgt.s32 s16, $0x1007  }
0xf5: {  	[sflag:s13] =	ssyncset.done @!p0 $0x0;
	s8 =	sshll.u32 @!p1 s16, $0x6  }
0xf6: {  	[sflag:s13] =	ssyncadd.s32 @!p0 $0xFFFFFC00;
	s8 =	sand.u32 @!p1 $0x1FFFFE00, s8  }
0xf7: {  	s18 =	simm.s32 @!p1 $0x0;
	s29 =	simm.s32 @!p1 $0xB000;
	s13 =	sadd.s32 @!p1 s2, s8  }
0xf8: {  	[tilespmem:s29], [sflag:$0x5] =	stream.linear.gather @!p1 [hbm4b:s13+s18], $0x1000, $0x38;
	[tilespmem:$0x12080] =	vst v63  }
0xf9: {  	s13 =	simm.s32 @!p1 $0x5  }
0xfa: {  	_ =	swait.ge @!p1 [sflag:s13], $0x1000  }
0xfb: {  	[sflag:s13] =	ssyncset.done @!p1 $0x0  }
0xfc: {  	s8 =	sadd.s32 @!p1 s3, s8;
	s29 =	simm.s32 @!p1 $0xF000;
	[sflag:s13] =	ssyncadd.s32 @!p1 $0xFFFFF000  }
0xfd: {  	[tilespmem:s29], [sflag:$0x5] =	stream.linear.gather @!p1 [hbm4b:s8+s18], $0x1000, $0x38;
	[tilespmem:$0x12080] =	vst v63  }
0xfe: {  	s8 =	sshll.u32 @!p1 s16, $0x4  }
0xff: {  	s29 =	simm.s32 @!p1 $0x11800;
	_ =	swait.ge @!p1 [sflag:s13], $0x1000;
	s8 =	sand.u32 @!p1 $0x1FFFFF80, s8  }
0x100: {  	s30 =	rddreg [dreg:$0x16];
	[sflag:s13] =	ssyncset.done @!p1 $0x0;
	s8 =	sadd.s32 @!p1 s5, s8  }
0x101: {  	s31 =	rddreg [dreg:$0x17];
	s16 =	sadd.s32 s26, s30;
	[sflag:s13] =	ssyncadd.s32 @!p1 $0xFFFFF000  }
0x102: {  	[tilespmem:s29], [sflag:$0x5] =	stream.linear.gather @!p1 [hbm4b:s8+s18], $0x400, $0x38;
	[tilespmem:$0x12080] =	vst v63  }
0x103: {  	s8 =	sadd.s32 s26, s31;
	s16 =	sadd.s32 s16, s25  }
0x104: {  	p0 =	sgt.s32 s16, $0xFFFF;
	s8 =	sadd.s32 s8, s25  }
0x105: {  	s16 =	smov.u32 @p0 s8  }
0x106: {  	_ =	swait.ge @!p1 [sflag:s13], $0x400;
	p0 =	sgt.s32 s16, $0x1007  }
0x107: {  	[sflag:s13] =	ssyncset.done @!p1 $0x0;
	s8 =	sshll.u32 @!p0 s16, $0x6  }
0x108: {  	[sflag:s13] =	ssyncadd.s32 @!p1 $0xFFFFFC00;
	s8 =	sand.u32 @!p0 $0x1FFFFE00, s8  }
0x109: {  	s18 =	simm.s32 @!p0 $0x0;
	s26 =	simm.s32 @!p0 $0xC000;
	s13 =	sadd.s32 @!p0 s2, s8  }
0x10a: {  	[tilespmem:s26], [sflag:$0x5] =	stream.linear.gather @!p0 [hbm4b:s13+s18], $0x1000, $0x38;
	[tilespmem:$0x12080] =	vst v63  }
0x10b: {  	s13 =	simm.s32 @!p0 $0x5  }
0x10c: {  	_ =	swait.ge @!p0 [sflag:s13], $0x1000  }
0x10d: {  	[sflag:s13] =	ssyncset.done @!p0 $0x0  }
0x10e: {  	s8 =	sadd.s32 @!p0 s3, s8;
	s26 =	simm.s32 @!p0 $0x10000;
	[sflag:s13] =	ssyncadd.s32 @!p0 $0xFFFFF000  }
0x10f: {  	[tilespmem:s26], [sflag:$0x5] =	stream.linear.gather @!p0 [hbm4b:s8+s18], $0x1000, $0x38;
	[tilespmem:$0x12080] =	vst v63  }
0x110: {  	s8 =	sshll.u32 @!p0 s16, $0x4;
	_ =	swait.ge @!p0 [sflag:s13], $0x1000  }
0x111: {  	s16 =	simm.s32 @!p0 $0x11C00;
	s8 =	sand.u32 @!p0 $0x1FFFFF80, s8;
	[sflag:s13] =	ssyncset.done @!p0 $0x0  }
.Ltmp5:
0x112: {  	s8 =	sadd.s32 @!p0 s5, s8;
	[sflag:s13] =	ssyncadd.s32 @!p0 $0xFFFFF000;
	(pc) =	sbr.rel .LBB2_8-.Ltmp5, $4  }
0x113: {  	[tilespmem:s16], [sflag:$0x5] =	stream.linear.gather @!p0 [hbm4b:s8+s18], $0x400, $0x38;
	[tilespmem:$0x12080] =	vst v63  }
0x114: {  	_ =	swait.ge @!p0 [sflag:s13], $0x400  }
0x115: {  	[sflag:s13] =	ssyncset.done @!p0 $0x0  }
0x116: {  	[sflag:s13] =	ssyncadd.s32 @!p0 $0xFFFFFC00  }
.LBB2_6:
0x117: {  	_ =	swait.ge [sflag:s28], $0x1000  }
0x118: {  	[sflag:s28] =	ssyncset.done $0x0  }
0x119: {  	[sflag:s28] =	ssyncadd.s32 $0xFFFFF000  }
.LBB2_8:
0x11a: {  	s8 =	rddreg [dreg:$0xe]  }
0x11b: {  	s13 =	simm.s32 $0x9000;
	s8 =	sadd.s32 s14, s8  }
0x11c: {  	[hbm4b:s8+s23] =	stream.strided.scatter [tilespmem:s13], [sflag:$0x4], $0x4000, s24, s23, $0x38;
	[tilespmem:$0x12080] =	vst v63  }
0x11d: {  	s30 =	simm.s32 $0xD000;
	s8 =	sadd.s32 $0x200, s8  }
0x11e: {  	[hbm4b:s8+s23] =	stream.strided.scatter [tilespmem:s30], [sflag:$0x4], $0x4000, s24, s23, $0x38;
	[tilespmem:$0x12080] =	vst v63  }
0x11f: {  	s31 =	simm.s32 $0x11000  }
0x120: {  	[hbm4b:s17+s1] =	stream.linear.scatter [tilespmem:s31], [sflag:$0x4], $0x1000, $0x38;
	[tilespmem:$0x12080] =	vst v63  }
0x121: {  	_ =	swait.ge [sflag:s0], $0x4000  }
0x122: {  	[sflag:s0] =	ssyncset.done $0x0  }
0x123: {  	[sflag:s0] =	ssyncadd.s32 $0xFFFFC000  }
0x124: {  	p0 =	seq.s32 s4, $0x7C0;
	_ =	swait.ge [sflag:s0], $0x4000  }
.Ltmp6:
0x125: {  	[sflag:s0] =	ssyncset.done $0x0;
	(pc) =	sbr.rel @p0 .LBB2_10-.Ltmp6, $4  }
0x126: {  	[sflag:s0] =	ssyncadd.s32 $0xFFFFC000  }
0x127: {  	_ =	swait.ge [sflag:s0], $0x1000  }
0x128: {  	[sflag:s0] =	ssyncset.done $0x0  }
0x129: {  	[sflag:s0] =	ssyncadd.s32 $0xFFFFF000  }
0x12a: {  	s8 =	sshrl.u32 s9, $0xF  }
0x12b: {  	s8 =	sand.u32 $0x10000, s8  }
0x12c: {  	s8 =	sadd.s32 s8, s7  }
0x12d: {  	s8 =	sadd.s32 s8, s25  }
0x12e: {  	p0 =	sgt.s32 s8, $0xFE8  }
0x12f: {  	s13 =	sadd.s32 @p0 s21, s12  }
0x130: {  	s16 =	simm.s32 @p0 $0x0;
	s13 =	sadd.s32 @p0 $0x1000, s13  }
0x131: {  	[tilespmem:s16], [sflag:$0x1] =	stream.linear.gather @p0 [hbm4b:s13+s16], $0x4000, $0x38;
	[tilespmem:$0x12080] =	vst v63  }
0x132: {  	s13 =	sadd.s32 @p0 s15, s12  }
0x133: {  	s4 =	sadd.s32 $0x40, s4;
	s18 =	simm.s32 @p0 $0x4000;
	s13 =	sadd.s32 @p0 $0x1000, s13  }
0x134: {  	[tilespmem:s18], [sflag:$0x1] =	stream.linear.gather @p0 [hbm4b:s13+s16], $0x4000, $0x38;
	[tilespmem:$0x12080] =	vst v63  }
0x135: {  	s9 =	sadd.s32 $0x40, s9;
	s17 =	sadd.s32 $0x400, s17;
	s13 =	sshll.u32 @!p0 s8, $0x6  }
0x136: {  	s14 =	sadd.s32 $0x2400, s14;
	s11 =	sadd.s32 $0x40, s11;
	s13 =	sand.u32 @!p0 $0x1FFFFE00, s13  }
0x137: {  	s6 =	sadd.s32 $0x40, s6;
	s18 =	simm.s32 @!p0 $0x0;
	s16 =	sadd.s32 @!p0 s2, s13  }
0x138: {  	[tilespmem:s18], [sflag:$0x1] =	stream.linear.gather @!p0 [hbm4b:s16+s18], $0x4000, $0x38;
	[tilespmem:$0x12080] =	vst v63  }
.Ltmp7:
0x139: {  	s21 =	sadd.s32 $0x1000, s21;
	s8 =	sshll.u32 @!p0 s8, $0x4;
	(pc) =	sbr.rel .LBB2_2-.Ltmp7, $4  }
0x13a: {  	s8 =	sand.u32 @!p0 $0x1FFFFF80, s8;
	s13 =	sadd.s32 @!p0 s3, s13;
	s16 =	simm.s32 @!p0 $0x4000  }
0x13b: {  	[tilespmem:s16], [sflag:$0x1] =	stream.linear.gather @!p0 [hbm4b:s13+s18], $0x4000, $0x38;
	[tilespmem:$0x12080] =	vst v63  }
0x13c: {  	s15 =	sadd.s32 $0x1000, s15;
	s8 =	sadd.s32 @!p0 s5, s8;
	s13 =	simm.s32 @!p0 $0x8000  }
0x13d: {  	[tilespmem:s13], [sflag:$0x1] =	stream.linear.gather @!p0 [hbm4b:s8+s18], $0x1000, $0x38;
	[tilespmem:$0x12080] =	vst v63  }
.LBB2_11:
0x13e: {  	_ =	sfence.sel $0x180000  }
0x13f: {  	[bflag:$0x0] =	sbarrier.arrive $0xFFFF  }
0x140: {  	_ =	strace $0x90000047  }
0x141: {  	s0 =	stileid.u32;
	[bflag:$0x2] =	sbarrier.arrive $0xFFFF  }
0x142: {  	p0 =	sne.s32 s0, $0x0;
	s0 =	rddreg [dreg:$0x3]  }
0x143: {  	s0 =	sadd.s32 @!p0 $0x100000, s0  }
0x144: {  	[sflag:s0] =	ssyncadd.tile.s32 @!p0 $0x1;
	_ =	shalt  }
.Lfunc_end2:
_tile_overlayer_lowered:
.L_overlay_start_2:
0x145: {  	(tag) =	ssettag $0x2  }
0x146: {  	s0 =	rddreg [dreg:$0x0];
	s2 =	stileid.u32  }
0x147: {  	s1 =	rddreg [dreg:$0x1];
	p0 =	sne.s32 s2, $0x0  }
0x148: {  	s3 =	rddreg [dreg:$0x2];
	[bflag:$0x3] =	sbarrier.arrive $0xFFFF;
	s2 =	simm.s32 @!p0 $0x1C05  }
0x149: {  	[timem:s3], [sflag:s2] =	dma.local @!p0 [hbm:s0], s1  }
0x14a: {  	s0 =	simm.s32 @!p0 $0x5  }
0x14b: {  	_ =	swait.ge @!p0 [sflag:s0], s1  }
0x14c: {  	s1 =	ssub.s32 @!p0 $0x0, s1;
	[sflag:s0] =	ssyncset.done @!p0 $0x0  }
0x14d: {  	[sflag:s0] =	ssyncadd.s32 @!p0 s1  }
0x14e: {  	[bflag:$0x3] =	sbarrier.arrive $0xFFFF  }
0x14f: {  	_ =	shalt  }

</sc_bundles>
